<compile_context>
chip_gen: v7x
topology: tpu7x:2x2x1
jax: 0.10.2.dev20260603
libtpu: 0.0.44.dev20260713+nightly
codegen_flags: <defaults>
</compile_context>

<pallas_src>
import functools

import jax
import jax.numpy as jnp
from jax import lax
from jax.experimental import pallas as pl
from jax.experimental.pallas import tpu as pltpu
from jax.experimental.pallas import tpu_sc as plsc

VOCAB = 1000000
D = 64
ROWS = 4096
TOK = 200
NC, NS, LANES = 2, 16, 16
NW = NC * NS
R_PER_W = ROWS // NW
NBUF = 4
NGROUP = R_PER_W // NBUF
SCALE = 8.0

_mesh = plsc.VectorSubcoreMesh(
    core_axis_name="c", subcore_axis_name="s", num_cores=NC, num_subcores=NS
)

_scratch = (
    [pltpu.VMEM((R_PER_W, 128), jnp.int32),
     pltpu.VMEM((R_PER_W, TOK - 128), jnp.int32)]
    + [pltpu.VMEM((1, TOK, D), jnp.float32) for _ in range(2 * NBUF)]
    + [pltpu.SemaphoreType.DMA for _ in range(2 * NBUF)]
)


@functools.partial(
    pl.kernel,
    out_type=jax.ShapeDtypeStruct((ROWS, TOK, D), jnp.float32),
    mesh=_mesh,
    scratch_types=_scratch,
    compiler_params=pltpu.CompilerParams(use_tc_tiling_on_sc=False),
)
def _emb_kernel(x_hbm, table_hbm, out_hbm, idxa, idxb, *bufs):
    gbuf = bufs[:NBUF]
    obuf = bufs[NBUF:2 * NBUF]
    gsem = bufs[2 * NBUF:3 * NBUF]
    wsem = bufs[3 * NBUF:]

    wid = lax.axis_index("s") * NC + lax.axis_index("c")
    row0 = wid * R_PER_W

    pltpu.sync_copy(x_hbm.at[pl.ds(row0, R_PER_W), pl.ds(0, 128)], idxa)
    pltpu.sync_copy(x_hbm.at[pl.ds(row0, R_PER_W), pl.ds(128, TOK - 128)],
                    idxb)

    splits = ((idxa, 0, 128), (idxb, 128, TOK - 128))

    def start_gather(b, r):
        for ref, off, n in splits:
            pltpu.async_copy(
                table_hbm.at[ref.at[r]],
                gbuf[b].at[0, pl.ds(off, n)],
                gsem[b],
            )

    def wait_gather(b, r):
        for ref, off, n in splits:
            pltpu.make_async_copy(
                table_hbm.at[ref.at[r]],
                gbuf[b].at[0, pl.ds(off, n)],
                gsem[b],
            ).wait()

    def start_write(b, r):
        pltpu.async_copy(obuf[b], out_hbm.at[pl.ds(row0 + r, 1)], wsem[b])

    def wait_write(b, r):
        pltpu.make_async_copy(
            obuf[b], out_hbm.at[pl.ds(row0 + r, 1)], wsem[b]
        ).wait()

    def scale(b):
        src, dst = gbuf[b], obuf[b]

        @plsc.parallel_loop(0, TOK, unroll=8)
        def _(t):
            for j in range(D // LANES):
                sl = pl.ds(j * LANES, LANES)
                dst[0, t, sl] = src[0, t, sl] * SCALE

    for b in range(NBUF):
        start_gather(b, b)

    @pl.loop(0, NGROUP)
    def _(t):
        for b in range(NBUF):
            r = t * NBUF + b
            wait_gather(b, r)

            @pl.when(t > 0)
            def _():
                wait_write(b, r)

            scale(b)
            start_write(b, r)

            @pl.when(t < NGROUP - 1)
            def _():
                start_gather(b, r + NBUF)

    for b in range(NBUF):
        wait_write(b, 0)


def kernel(x, table):
    return _emb_kernel(x.astype(jnp.int32), table)

# --- scband reference (transcript-rebuilt; emitter-appended) ---
"""Pipeline reference for scband-token-embedding-exercise-10505490006534 (READ-ONLY COPY).

The authoritative reference and input builder live on the scoring server;
editing this copy changes nothing except your own understanding.
"""

import jax, jax.numpy as jnp
import numpy as np
import math

VOCAB_SIZE = 1000000
D_MODEL = 64

def setup_inputs(seed: int = 0) -> dict:
    key = jax.random.key(seed)
    k1, k2 = jax.random.split(key)
    x = jax.random.randint(k1, (4096, 200), 0, VOCAB_SIZE, dtype=jnp.int64 if jax.config.jax_enable_x64 else jnp.int32)
    table = jax.random.normal(k2, (VOCAB_SIZE, D_MODEL), dtype=jnp.float32)
    return {"x": x, "table": table}

def reference(x, table):
    # embedding lookup scaled by sqrt(d_model)
    emb = jnp.take(table, x, axis=0)
    return emb * math.sqrt(D_MODEL)

if __name__ == "__main__":
    import jax
    _d = setup_inputs()
    print(jax.jit(kernel)(*tuple(_d.values())))

</pallas_src>

<mosaic_0001>
#map = affine_map<(d0, d1) -> (0, 0)>
#map1 = affine_map<(d0, d1) -> (0, 0, 0)>
module attributes {stable_mosaic.version = 14 : i64} {
  func.func @_emb_kernel(%arg0: i32, %arg1: i32, %arg2: memref<4096x200xi32, #tpu.memory_space<hbm>>, %arg3: memref<1000000x64xf32, #tpu.memory_space<hbm>>, %arg4: memref<4096x200x64xf32, #tpu.memory_space<hbm>>, %arg5: memref<128x128xi32, #tpu.memory_space<vmem>>, %arg6: memref<128x72xi32, #tpu.memory_space<vmem>>, %arg7: memref<1x200x64xf32, #tpu.memory_space<vmem>>, %arg8: memref<1x200x64xf32, #tpu.memory_space<vmem>>, %arg9: memref<1x200x64xf32, #tpu.memory_space<vmem>>, %arg10: memref<1x200x64xf32, #tpu.memory_space<vmem>>, %arg11: memref<1x200x64xf32, #tpu.memory_space<vmem>>, %arg12: memref<1x200x64xf32, #tpu.memory_space<vmem>>, %arg13: memref<1x200x64xf32, #tpu.memory_space<vmem>>, %arg14: memref<1x200x64xf32, #tpu.memory_space<vmem>>, %arg15: memref<!tpu.dma_semaphore, #tpu.memory_space<semaphore_mem>>, %arg16: memref<!tpu.dma_semaphore, #tpu.memory_space<semaphore_mem>>, %arg17: memref<!tpu.dma_semaphore, #tpu.memory_space<semaphore_mem>>, %arg18: memref<!tpu.dma_semaphore, #tpu.memory_space<semaphore_mem>>, %arg19: memref<!tpu.dma_semaphore, #tpu.memory_space<semaphore_mem>>, %arg20: memref<!tpu.dma_semaphore, #tpu.memory_space<semaphore_mem>>, %arg21: memref<!tpu.dma_semaphore, #tpu.memory_space<semaphore_mem>>, %arg22: memref<!tpu.dma_semaphore, #tpu.memory_space<semaphore_mem>>) attributes {dimension_semantics = [#tpu.dimension_semantics<core_parallel>, #tpu.dimension_semantics<subcore_parallel>], iteration_bounds = array<i64: 2, 16>, scalar_prefetch = 0 : i64, scratch_operands = 18 : i64, tpu.core_type = #tpu.core_type<sc_vector_subcore>, window_params = [{transform_indices = #map}, {transform_indices = #map}, {transform_indices = #map1}]} {
    %mul3A = arith.constant 2 : i32
    %mul3A_0 = arith.muli %arg1, %mul3A : i32
    %add3A = arith.addi %mul3A_0, %arg0 : i32
    %mul3A_1 = arith.constant 128 : i32
    %mul3A_2 = arith.muli %add3A, %mul3A_1 : i32
    "tpu.region"() ({
      %run_scoped3A = tpu.sem_alloc : memref<!tpu.dma_semaphore, #tpu.memory_space<semaphore_mem>>
      %dma_start3A_133 = arith.constant 0 : i32
      %dma_start3A_134 = tpu.memref_slice %arg2[%mul3A_2, %dma_start3A_133] : memref<4096x200xi32, #tpu.memory_space<hbm>> -> memref<128x128xi32, #tpu.memory_space<hbm>>
      %dma_start3A_135 = arith.constant 0 : i32
      %dma_start3A_136 = tpu.memref_slice %arg2[%mul3A_2, %dma_start3A_135] : memref<4096x200xi32, #tpu.memory_space<hbm>> -> memref<128x128xi32, #tpu.memory_space<hbm>>
      tpu.enqueue_dma source(%dma_start3A_136 : memref<128x128xi32, #tpu.memory_space<hbm>>) target(%arg5 : memref<128x128xi32, #tpu.memory_space<vmem>>) target_semaphore(%run_scoped3A : memref<!tpu.dma_semaphore, #tpu.memory_space<semaphore_mem>>)
      %dma_wait3A_137 = arith.constant 0 : i32
      %dma_wait3A_138 = tpu.memref_slice %arg2[%mul3A_2, %dma_wait3A_137] : memref<4096x200xi32, #tpu.memory_space<hbm>> -> memref<128x128xi32, #tpu.memory_space<hbm>>
      %dma_wait3A_139 = arith.constant 0 : i32
      %dma_wait3A_140 = tpu.memref_slice %arg2[%mul3A_2, %dma_wait3A_139] : memref<4096x200xi32, #tpu.memory_space<hbm>> -> memref<128x128xi32, #tpu.memory_space<hbm>>
      tpu.wait_dma2 semaphore(%run_scoped3A : memref<!tpu.dma_semaphore, #tpu.memory_space<semaphore_mem>>) src(%dma_wait3A_140 : memref<128x128xi32, #tpu.memory_space<hbm>>) dst(%arg5 : memref<128x128xi32, #tpu.memory_space<vmem>>)
      tpu.yield
    }) : () -> ()
    "tpu.region"() ({
      %run_scoped3A = tpu.sem_alloc : memref<!tpu.dma_semaphore, #tpu.memory_space<semaphore_mem>>
      %dma_start3A_133 = arith.constant 128 : i32
      %dma_start3A_134 = tpu.memref_slice %arg2[%mul3A_2, %dma_start3A_133] : memref<4096x200xi32, #tpu.memory_space<hbm>> -> memref<128x72xi32, #tpu.memory_space<hbm>>
      %dma_start3A_135 = arith.constant 128 : i32
      %dma_start3A_136 = tpu.memref_slice %arg2[%mul3A_2, %dma_start3A_135] : memref<4096x200xi32, #tpu.memory_space<hbm>> -> memref<128x72xi32, #tpu.memory_space<hbm>>
      tpu.enqueue_dma source(%dma_start3A_136 : memref<128x72xi32, #tpu.memory_space<hbm>>) target(%arg6 : memref<128x72xi32, #tpu.memory_space<vmem>>) target_semaphore(%run_scoped3A : memref<!tpu.dma_semaphore, #tpu.memory_space<semaphore_mem>>)
      %dma_wait3A_137 = arith.constant 128 : i32
      %dma_wait3A_138 = tpu.memref_slice %arg2[%mul3A_2, %dma_wait3A_137] : memref<4096x200xi32, #tpu.memory_space<hbm>> -> memref<128x72xi32, #tpu.memory_space<hbm>>
      %dma_wait3A_139 = arith.constant 128 : i32
      %dma_wait3A_140 = tpu.memref_slice %arg2[%mul3A_2, %dma_wait3A_139] : memref<4096x200xi32, #tpu.memory_space<hbm>> -> memref<128x72xi32, #tpu.memory_space<hbm>>
      tpu.wait_dma2 semaphore(%run_scoped3A : memref<!tpu.dma_semaphore, #tpu.memory_space<semaphore_mem>>) src(%dma_wait3A_140 : memref<128x72xi32, #tpu.memory_space<hbm>>) dst(%arg6 : memref<128x72xi32, #tpu.memory_space<vmem>>)
      tpu.yield
    }) : () -> ()
    %dma_start3A = arith.constant 0 : i32
    %dma_start3A_3 = arith.constant 0 : i32
    %dma_start3A_4 = arith.constant 0 : i32
    %dma_start3A_5 = arith.constant 0 : i32
    %dma_start3A_6 = tpu.memref_slice %arg7[%dma_start3A_3, %dma_start3A_4, %dma_start3A_5] : memref<1x200x64xf32, #tpu.memory_space<vmem>> -> memref<1x128x64xf32, #tpu.memory_space<vmem>>
    %dma_start3A_7 = tpu.memref_squeeze %dma_start3A_6 : memref<1x128x64xf32, #tpu.memory_space<vmem>> -> memref<128x64xf32, #tpu.memory_space<vmem>>
    %dma_start3A_8 = arith.constant 0 : i32
    %dma_start3A_9 = tpu.memref_slice %arg5[%dma_start3A, %dma_start3A_8] : memref<128x128xi32, #tpu.memory_space<vmem>> -> memref<1x128xi32, #tpu.memory_space<vmem>>
    %dma_start3A_10 = tpu.memref_squeeze %dma_start3A_9 : memref<1x128xi32, #tpu.memory_space<vmem>> -> memref<128xi32, #tpu.memory_space<vmem>>
    %dma_start3A_11 = arith.constant 0 : i32
    %dma_start3A_12 = arith.constant 0 : i32
    %dma_start3A_13 = tpu.memref_slice %arg3[%dma_start3A_11, %dma_start3A_12] : memref<1000000x64xf32, #tpu.memory_space<hbm>> -> memref<1000000x64xf32, #tpu.memory_space<hbm>>
    tpu.enqueue_indirect_dma source(%dma_start3A_13 : memref<1000000x64xf32, #tpu.memory_space<hbm>>) target(%dma_start3A_7 : memref<128x64xf32, #tpu.memory_space<vmem>>) offsets(%dma_start3A_10 : memref<128xi32, #tpu.memory_space<vmem>>) semaphore(%arg15 : memref<!tpu.dma_semaphore, #tpu.memory_space<semaphore_mem>>)
    %dma_start3A_14 = arith.constant 0 : i32
    %dma_start3A_15 = arith.constant 0 : i32
    %dma_start3A_16 = arith.constant 128 : i32
    %dma_start3A_17 = arith.constant 0 : i32
    %dma_start3A_18 = tpu.memref_slice %arg7[%dma_start3A_15, %dma_start3A_16, %dma_start3A_17] : memref<1x200x64xf32, #tpu.memory_space<vmem>> -> memref<1x72x64xf32, #tpu.memory_space<vmem>>
    %dma_start3A_19 = tpu.memref_squeeze %dma_start3A_18 : memref<1x72x64xf32, #tpu.memory_space<vmem>> -> memref<72x64xf32, #tpu.memory_space<vmem>>
    %dma_start3A_20 = arith.constant 0 : i32
    %dma_start3A_21 = tpu.memref_slice %arg6[%dma_start3A_14, %dma_start3A_20] : memref<128x72xi32, #tpu.memory_space<vmem>> -> memref<1x72xi32, #tpu.memory_space<vmem>>
    %dma_start3A_22 = tpu.memref_squeeze %dma_start3A_21 : memref<1x72xi32, #tpu.memory_space<vmem>> -> memref<72xi32, #tpu.memory_space<vmem>>
    %dma_start3A_23 = arith.constant 0 : i32
    %dma_start3A_24 = arith.constant 0 : i32
    %dma_start3A_25 = tpu.memref_slice %arg3[%dma_start3A_23, %dma_start3A_24] : memref<1000000x64xf32, #tpu.memory_space<hbm>> -> memref<1000000x64xf32, #tpu.memory_space<hbm>>
    tpu.enqueue_indirect_dma source(%dma_start3A_25 : memref<1000000x64xf32, #tpu.memory_space<hbm>>) target(%dma_start3A_19 : memref<72x64xf32, #tpu.memory_space<vmem>>) offsets(%dma_start3A_22 : memref<72xi32, #tpu.memory_space<vmem>>) semaphore(%arg15 : memref<!tpu.dma_semaphore, #tpu.memory_space<semaphore_mem>>)
    %dma_start3A_26 = arith.constant 1 : i32
    %dma_start3A_27 = arith.constant 0 : i32
    %dma_start3A_28 = arith.constant 0 : i32
    %dma_start3A_29 = arith.constant 0 : i32
    %dma_start3A_30 = tpu.memref_slice %arg8[%dma_start3A_27, %dma_start3A_28, %dma_start3A_29] : memref<1x200x64xf32, #tpu.memory_space<vmem>> -> memref<1x128x64xf32, #tpu.memory_space<vmem>>
    %dma_start3A_31 = tpu.memref_squeeze %dma_start3A_30 : memref<1x128x64xf32, #tpu.memory_space<vmem>> -> memref<128x64xf32, #tpu.memory_space<vmem>>
    %dma_start3A_32 = arith.constant 0 : i32
    %dma_start3A_33 = tpu.memref_slice %arg5[%dma_start3A_26, %dma_start3A_32] : memref<128x128xi32, #tpu.memory_space<vmem>> -> memref<1x128xi32, #tpu.memory_space<vmem>>
    %dma_start3A_34 = tpu.memref_squeeze %dma_start3A_33 : memref<1x128xi32, #tpu.memory_space<vmem>> -> memref<128xi32, #tpu.memory_space<vmem>>
    %dma_start3A_35 = arith.constant 0 : i32
    %dma_start3A_36 = arith.constant 0 : i32
    %dma_start3A_37 = tpu.memref_slice %arg3[%dma_start3A_35, %dma_start3A_36] : memref<1000000x64xf32, #tpu.memory_space<hbm>> -> memref<1000000x64xf32, #tpu.memory_space<hbm>>
    tpu.enqueue_indirect_dma source(%dma_start3A_37 : memref<1000000x64xf32, #tpu.memory_space<hbm>>) target(%dma_start3A_31 : memref<128x64xf32, #tpu.memory_space<vmem>>) offsets(%dma_start3A_34 : memref<128xi32, #tpu.memory_space<vmem>>) semaphore(%arg16 : memref<!tpu.dma_semaphore, #tpu.memory_space<semaphore_mem>>)
    %dma_start3A_38 = arith.constant 1 : i32
    %dma_start3A_39 = arith.constant 0 : i32
    %dma_start3A_40 = arith.constant 128 : i32
    %dma_start3A_41 = arith.constant 0 : i32
    %dma_start3A_42 = tpu.memref_slice %arg8[%dma_start3A_39, %dma_start3A_40, %dma_start3A_41] : memref<1x200x64xf32, #tpu.memory_space<vmem>> -> memref<1x72x64xf32, #tpu.memory_space<vmem>>
    %dma_start3A_43 = tpu.memref_squeeze %dma_start3A_42 : memref<1x72x64xf32, #tpu.memory_space<vmem>> -> memref<72x64xf32, #tpu.memory_space<vmem>>
    %dma_start3A_44 = arith.constant 0 : i32
    %dma_start3A_45 = tpu.memref_slice %arg6[%dma_start3A_38, %dma_start3A_44] : memref<128x72xi32, #tpu.memory_space<vmem>> -> memref<1x72xi32, #tpu.memory_space<vmem>>
    %dma_start3A_46 = tpu.memref_squeeze %dma_start3A_45 : memref<1x72xi32, #tpu.memory_space<vmem>> -> memref<72xi32, #tpu.memory_space<vmem>>
    %dma_start3A_47 = arith.constant 0 : i32
    %dma_start3A_48 = arith.constant 0 : i32
    %dma_start3A_49 = tpu.memref_slice %arg3[%dma_start3A_47, %dma_start3A_48] : memref<1000000x64xf32, #tpu.memory_space<hbm>> -> memref<1000000x64xf32, #tpu.memory_space<hbm>>
    tpu.enqueue_indirect_dma source(%dma_start3A_49 : memref<1000000x64xf32, #tpu.memory_space<hbm>>) target(%dma_start3A_43 : memref<72x64xf32, #tpu.memory_space<vmem>>) offsets(%dma_start3A_46 : memref<72xi32, #tpu.memory_space<vmem>>) semaphore(%arg16 : memref<!tpu.dma_semaphore, #tpu.memory_space<semaphore_mem>>)
    %dma_start3A_50 = arith.constant 2 : i32
    %dma_start3A_51 = arith.constant 0 : i32
    %dma_start3A_52 = arith.constant 0 : i32
    %dma_start3A_53 = arith.constant 0 : i32
    %dma_start3A_54 = tpu.memref_slice %arg9[%dma_start3A_51, %dma_start3A_52, %dma_start3A_53] : memref<1x200x64xf32, #tpu.memory_space<vmem>> -> memref<1x128x64xf32, #tpu.memory_space<vmem>>
    %dma_start3A_55 = tpu.memref_squeeze %dma_start3A_54 : memref<1x128x64xf32, #tpu.memory_space<vmem>> -> memref<128x64xf32, #tpu.memory_space<vmem>>
    %dma_start3A_56 = arith.constant 0 : i32
    %dma_start3A_57 = tpu.memref_slice %arg5[%dma_start3A_50, %dma_start3A_56] : memref<128x128xi32, #tpu.memory_space<vmem>> -> memref<1x128xi32, #tpu.memory_space<vmem>>
    %dma_start3A_58 = tpu.memref_squeeze %dma_start3A_57 : memref<1x128xi32, #tpu.memory_space<vmem>> -> memref<128xi32, #tpu.memory_space<vmem>>
    %dma_start3A_59 = arith.constant 0 : i32
    %dma_start3A_60 = arith.constant 0 : i32
    %dma_start3A_61 = tpu.memref_slice %arg3[%dma_start3A_59, %dma_start3A_60] : memref<1000000x64xf32, #tpu.memory_space<hbm>> -> memref<1000000x64xf32, #tpu.memory_space<hbm>>
    tpu.enqueue_indirect_dma source(%dma_start3A_61 : memref<1000000x64xf32, #tpu.memory_space<hbm>>) target(%dma_start3A_55 : memref<128x64xf32, #tpu.memory_space<vmem>>) offsets(%dma_start3A_58 : memref<128xi32, #tpu.memory_space<vmem>>) semaphore(%arg17 : memref<!tpu.dma_semaphore, #tpu.memory_space<semaphore_mem>>)
    %dma_start3A_62 = arith.constant 2 : i32
    %dma_start3A_63 = arith.constant 0 : i32
    %dma_start3A_64 = arith.constant 128 : i32
    %dma_start3A_65 = arith.constant 0 : i32
    %dma_start3A_66 = tpu.memref_slice %arg9[%dma_start3A_63, %dma_start3A_64, %dma_start3A_65] : memref<1x200x64xf32, #tpu.memory_space<vmem>> -> memref<1x72x64xf32, #tpu.memory_space<vmem>>
    %dma_start3A_67 = tpu.memref_squeeze %dma_start3A_66 : memref<1x72x64xf32, #tpu.memory_space<vmem>> -> memref<72x64xf32, #tpu.memory_space<vmem>>
    %dma_start3A_68 = arith.constant 0 : i32
    %dma_start3A_69 = tpu.memref_slice %arg6[%dma_start3A_62, %dma_start3A_68] : memref<128x72xi32, #tpu.memory_space<vmem>> -> memref<1x72xi32, #tpu.memory_space<vmem>>
    %dma_start3A_70 = tpu.memref_squeeze %dma_start3A_69 : memref<1x72xi32, #tpu.memory_space<vmem>> -> memref<72xi32, #tpu.memory_space<vmem>>
    %dma_start3A_71 = arith.constant 0 : i32
    %dma_start3A_72 = arith.constant 0 : i32
    %dma_start3A_73 = tpu.memref_slice %arg3[%dma_start3A_71, %dma_start3A_72] : memref<1000000x64xf32, #tpu.memory_space<hbm>> -> memref<1000000x64xf32, #tpu.memory_space<hbm>>
    tpu.enqueue_indirect_dma source(%dma_start3A_73 : memref<1000000x64xf32, #tpu.memory_space<hbm>>) target(%dma_start3A_67 : memref<72x64xf32, #tpu.memory_space<vmem>>) offsets(%dma_start3A_70 : memref<72xi32, #tpu.memory_space<vmem>>) semaphore(%arg17 : memref<!tpu.dma_semaphore, #tpu.memory_space<semaphore_mem>>)
    %dma_start3A_74 = arith.constant 3 : i32
    %dma_start3A_75 = arith.constant 0 : i32
    %dma_start3A_76 = arith.constant 0 : i32
    %dma_start3A_77 = arith.constant 0 : i32
    %dma_start3A_78 = tpu.memref_slice %arg10[%dma_start3A_75, %dma_start3A_76, %dma_start3A_77] : memref<1x200x64xf32, #tpu.memory_space<vmem>> -> memref<1x128x64xf32, #tpu.memory_space<vmem>>
    %dma_start3A_79 = tpu.memref_squeeze %dma_start3A_78 : memref<1x128x64xf32, #tpu.memory_space<vmem>> -> memref<128x64xf32, #tpu.memory_space<vmem>>
    %dma_start3A_80 = arith.constant 0 : i32
    %dma_start3A_81 = tpu.memref_slice %arg5[%dma_start3A_74, %dma_start3A_80] : memref<128x128xi32, #tpu.memory_space<vmem>> -> memref<1x128xi32, #tpu.memory_space<vmem>>
    %dma_start3A_82 = tpu.memref_squeeze %dma_start3A_81 : memref<1x128xi32, #tpu.memory_space<vmem>> -> memref<128xi32, #tpu.memory_space<vmem>>
    %dma_start3A_83 = arith.constant 0 : i32
    %dma_start3A_84 = arith.constant 0 : i32
    %dma_start3A_85 = tpu.memref_slice %arg3[%dma_start3A_83, %dma_start3A_84] : memref<1000000x64xf32, #tpu.memory_space<hbm>> -> memref<1000000x64xf32, #tpu.memory_space<hbm>>
    tpu.enqueue_indirect_dma source(%dma_start3A_85 : memref<1000000x64xf32, #tpu.memory_space<hbm>>) target(%dma_start3A_79 : memref<128x64xf32, #tpu.memory_space<vmem>>) offsets(%dma_start3A_82 : memref<128xi32, #tpu.memory_space<vmem>>) semaphore(%arg18 : memref<!tpu.dma_semaphore, #tpu.memory_space<semaphore_mem>>)
    %dma_start3A_86 = arith.constant 3 : i32
    %dma_start3A_87 = arith.constant 0 : i32
    %dma_start3A_88 = arith.constant 128 : i32
    %dma_start3A_89 = arith.constant 0 : i32
    %dma_start3A_90 = tpu.memref_slice %arg10[%dma_start3A_87, %dma_start3A_88, %dma_start3A_89] : memref<1x200x64xf32, #tpu.memory_space<vmem>> -> memref<1x72x64xf32, #tpu.memory_space<vmem>>
    %dma_start3A_91 = tpu.memref_squeeze %dma_start3A_90 : memref<1x72x64xf32, #tpu.memory_space<vmem>> -> memref<72x64xf32, #tpu.memory_space<vmem>>
    %dma_start3A_92 = arith.constant 0 : i32
    %dma_start3A_93 = tpu.memref_slice %arg6[%dma_start3A_86, %dma_start3A_92] : memref<128x72xi32, #tpu.memory_space<vmem>> -> memref<1x72xi32, #tpu.memory_space<vmem>>
    %dma_start3A_94 = tpu.memref_squeeze %dma_start3A_93 : memref<1x72xi32, #tpu.memory_space<vmem>> -> memref<72xi32, #tpu.memory_space<vmem>>
    %dma_start3A_95 = arith.constant 0 : i32
    %dma_start3A_96 = arith.constant 0 : i32
    %dma_start3A_97 = tpu.memref_slice %arg3[%dma_start3A_95, %dma_start3A_96] : memref<1000000x64xf32, #tpu.memory_space<hbm>> -> memref<1000000x64xf32, #tpu.memory_space<hbm>>
    tpu.enqueue_indirect_dma source(%dma_start3A_97 : memref<1000000x64xf32, #tpu.memory_space<hbm>>) target(%dma_start3A_91 : memref<72x64xf32, #tpu.memory_space<vmem>>) offsets(%dma_start3A_94 : memref<72xi32, #tpu.memory_space<vmem>>) semaphore(%arg18 : memref<!tpu.dma_semaphore, #tpu.memory_space<semaphore_mem>>)
    %scan3A = arith.constant 0 : i32
    %scan3A_98 = arith.constant 32 : i32
    %scan3A_99 = arith.addi %scan3A, %scan3A_98 : i32
    %scan3A_100 = arith.constant 1 : i32
    scf.for %scan3A_133 = %scan3A to %scan3A_99 step %scan3A_100  : i32 {
      %mul3A_134 = arith.constant 1 : i32
      %mul3A_135 = arith.muli %scan3A_133, %mul3A_134 : i32
      %add3A_136 = arith.constant 0 : i32
      %add3A_137 = arith.addi %add3A_136, %mul3A_135 : i32
      %mul3A_138 = arith.constant 4 : i32
      %mul3A_139 = arith.muli %add3A_137, %mul3A_138 : i32
      %add3A_140 = arith.constant 0 : i32
      %add3A_141 = arith.addi %mul3A_139, %add3A_140 : i32
      %dma_wait3A_142 = arith.constant 0 : i32
      %dma_wait3A_143 = arith.constant 0 : i32
      %dma_wait3A_144 = arith.constant 0 : i32
      %dma_wait3A_145 = tpu.memref_slice %arg7[%dma_wait3A_142, %dma_wait3A_143, %dma_wait3A_144] : memref<1x200x64xf32, #tpu.memory_space<vmem>> -> memref<1x128x64xf32, #tpu.memory_space<vmem>>
      %dma_wait3A_146 = tpu.memref_squeeze %dma_wait3A_145 : memref<1x128x64xf32, #tpu.memory_space<vmem>> -> memref<128x64xf32, #tpu.memory_space<vmem>>
      %dma_wait3A_147 = arith.constant 0 : i32
      %dma_wait3A_148 = tpu.memref_slice %arg5[%add3A_141, %dma_wait3A_147] : memref<128x128xi32, #tpu.memory_space<vmem>> -> memref<1x128xi32, #tpu.memory_space<vmem>>
      %dma_wait3A_149 = tpu.memref_squeeze %dma_wait3A_148 : memref<1x128xi32, #tpu.memory_space<vmem>> -> memref<128xi32, #tpu.memory_space<vmem>>
      %dma_wait3A_150 = arith.constant 0 : i32
      %dma_wait3A_151 = arith.constant 0 : i32
      %dma_wait3A_152 = tpu.memref_slice %arg3[%dma_wait3A_150, %dma_wait3A_151] : memref<1000000x64xf32, #tpu.memory_space<hbm>> -> memref<1000000x64xf32, #tpu.memory_space<hbm>>
      tpu.wait_indirect_dma semaphore(%arg15 : memref<!tpu.dma_semaphore, #tpu.memory_space<semaphore_mem>>) src(%dma_wait3A_152 : memref<1000000x64xf32, #tpu.memory_space<hbm>>) dst(%dma_wait3A_146 : memref<128x64xf32, #tpu.memory_space<vmem>>)
      %dma_wait3A_153 = arith.constant 0 : i32
      %dma_wait3A_154 = arith.constant 128 : i32
      %dma_wait3A_155 = arith.constant 0 : i32
      %dma_wait3A_156 = tpu.memref_slice %arg7[%dma_wait3A_153, %dma_wait3A_154, %dma_wait3A_155] : memref<1x200x64xf32, #tpu.memory_space<vmem>> -> memref<1x72x64xf32, #tpu.memory_space<vmem>>
      %dma_wait3A_157 = tpu.memref_squeeze %dma_wait3A_156 : memref<1x72x64xf32, #tpu.memory_space<vmem>> -> memref<72x64xf32, #tpu.memory_space<vmem>>
      %dma_wait3A_158 = arith.constant 0 : i32
      %dma_wait3A_159 = tpu.memref_slice %arg6[%add3A_141, %dma_wait3A_158] : memref<128x72xi32, #tpu.memory_space<vmem>> -> memref<1x72xi32, #tpu.memory_space<vmem>>
      %dma_wait3A_160 = tpu.memref_squeeze %dma_wait3A_159 : memref<1x72xi32, #tpu.memory_space<vmem>> -> memref<72xi32, #tpu.memory_space<vmem>>
      %dma_wait3A_161 = arith.constant 0 : i32
      %dma_wait3A_162 = arith.constant 0 : i32
      %dma_wait3A_163 = tpu.memref_slice %arg3[%dma_wait3A_161, %dma_wait3A_162] : memref<1000000x64xf32, #tpu.memory_space<hbm>> -> memref<1000000x64xf32, #tpu.memory_space<hbm>>
      tpu.wait_indirect_dma semaphore(%arg15 : memref<!tpu.dma_semaphore, #tpu.memory_space<semaphore_mem>>) src(%dma_wait3A_163 : memref<1000000x64xf32, #tpu.memory_space<hbm>>) dst(%dma_wait3A_157 : memref<72x64xf32, #tpu.memory_space<vmem>>)
      %gt3A = arith.constant 0 : i32
      %gt3A_164 = arith.cmpi sgt, %add3A_137, %gt3A : i32
      %convert_element_type3A = arith.extui %gt3A_164 : i1 to i32
      %cond3A = arith.constant 0 : i32
      %cond3A_165 = arith.cmpi ne, %convert_element_type3A, %cond3A : i32
      scf.if %cond3A_165 {
        %add3A_317 = arith.addi %mul3A_2, %add3A_141 : i32
        %dma_wait3A_318 = arith.constant 0 : i32
        %dma_wait3A_319 = arith.constant 0 : i32
        %dma_wait3A_320 = tpu.memref_slice %arg4[%add3A_317, %dma_wait3A_318, %dma_wait3A_319] : memref<4096x200x64xf32, #tpu.memory_space<hbm>> -> memref<1x200x64xf32, #tpu.memory_space<hbm>>
        %dma_wait3A_321 = arith.constant 0 : i32
        %dma_wait3A_322 = arith.constant 0 : i32
        %dma_wait3A_323 = tpu.memref_slice %arg4[%add3A_317, %dma_wait3A_321, %dma_wait3A_322] : memref<4096x200x64xf32, #tpu.memory_space<hbm>> -> memref<1x200x64xf32, #tpu.memory_space<hbm>>
        tpu.wait_dma2 semaphore(%arg19 : memref<!tpu.dma_semaphore, #tpu.memory_space<semaphore_mem>>) src(%arg11 : memref<1x200x64xf32, #tpu.memory_space<vmem>>) dst(%dma_wait3A_323 : memref<1x200x64xf32, #tpu.memory_space<hbm>>)
      } else {
      }
      %parallel_loop3A = arith.constant 0 : i32
      %parallel_loop3A_166 = arith.constant 200 : i32
      %parallel_loop3A_167 = arith.constant 1 : i32
      scf.for %parallel_loop3A_317 = %parallel_loop3A to %parallel_loop3A_166 step %parallel_loop3A_167  : i32 {
        %parallel_loop3A_318 = arith.constant 0 : i32
        %parallel_loop3A_319 = arith.index_cast %parallel_loop3A_318 : i32 to index
        %parallel_loop3A_320 = arith.index_cast %parallel_loop3A_317 : i32 to index
        %parallel_loop3A_321 = arith.constant 0 : index
        %parallel_loop3A_322 = tpu.vector_load %arg7[%parallel_loop3A_319, %parallel_loop3A_320, %parallel_loop3A_321] {strides = array<i32>} : memref<1x200x64xf32, #tpu.memory_space<vmem>>, vector<1x1x16xf32>,
        %parallel_loop3A_323 = vector.shape_cast %parallel_loop3A_322 : vector<1x1x16xf32> to vector<16xf32>
        %parallel_loop3A_324 = arith.constant 8.000000e+00 : f32
        %parallel_loop3A_325 = vector.broadcast %parallel_loop3A_324 : f32 to vector<16xf32>
        %parallel_loop3A_326 = arith.mulf %parallel_loop3A_323, %parallel_loop3A_325 : vector<16xf32>
        %parallel_loop3A_327 = arith.constant 0 : i32
        %parallel_loop3A_328 = arith.index_cast %parallel_loop3A_327 : i32 to index
        %parallel_loop3A_329 = arith.index_cast %parallel_loop3A_317 : i32 to index
        %parallel_loop3A_330 = arith.constant 0 : index
        %parallel_loop3A_331 = tpu.vector_load %arg11[%parallel_loop3A_328, %parallel_loop3A_329, %parallel_loop3A_330] {strides = array<i32>} : memref<1x200x64xf32, #tpu.memory_space<vmem>>, vector<1x1x16xf32>,
        %parallel_loop3A_332 = vector.shape_cast %parallel_loop3A_331 : vector<1x1x16xf32> to vector<16xf32>
        %parallel_loop3A_333 = vector.shape_cast %parallel_loop3A_326 : vector<16xf32> to vector<1x1x16xf32>
        tpu.vector_store %arg11[%parallel_loop3A_328, %parallel_loop3A_329, %parallel_loop3A_330], %parallel_loop3A_333 {strides = array<i32>} : memref<1x200x64xf32, #tpu.memory_space<vmem>>, vector<1x1x16xf32>,
        %parallel_loop3A_334 = arith.constant 0 : i32
        %parallel_loop3A_335 = arith.index_cast %parallel_loop3A_334 : i32 to index
        %parallel_loop3A_336 = arith.index_cast %parallel_loop3A_317 : i32 to index
        %parallel_loop3A_337 = arith.constant 16 : index
        %parallel_loop3A_338 = tpu.vector_load %arg7[%parallel_loop3A_335, %parallel_loop3A_336, %parallel_loop3A_337] {strides = array<i32>} : memref<1x200x64xf32, #tpu.memory_space<vmem>>, vector<1x1x16xf32>,
        %parallel_loop3A_339 = vector.shape_cast %parallel_loop3A_338 : vector<1x1x16xf32> to vector<16xf32>
        %parallel_loop3A_340 = arith.constant 8.000000e+00 : f32
        %parallel_loop3A_341 = vector.broadcast %parallel_loop3A_340 : f32 to vector<16xf32>
        %parallel_loop3A_342 = arith.mulf %parallel_loop3A_339, %parallel_loop3A_341 : vector<16xf32>
        %parallel_loop3A_343 = arith.constant 0 : i32
        %parallel_loop3A_344 = arith.index_cast %parallel_loop3A_343 : i32 to index
        %parallel_loop3A_345 = arith.index_cast %parallel_loop3A_317 : i32 to index
        %parallel_loop3A_346 = arith.constant 16 : index
        %parallel_loop3A_347 = tpu.vector_load %arg11[%parallel_loop3A_344, %parallel_loop3A_345, %parallel_loop3A_346] {strides = array<i32>} : memref<1x200x64xf32, #tpu.memory_space<vmem>>, vector<1x1x16xf32>,
        %parallel_loop3A_348 = vector.shape_cast %parallel_loop3A_347 : vector<1x1x16xf32> to vector<16xf32>
        %parallel_loop3A_349 = vector.shape_cast %parallel_loop3A_342 : vector<16xf32> to vector<1x1x16xf32>
        tpu.vector_store %arg11[%parallel_loop3A_344, %parallel_loop3A_345, %parallel_loop3A_346], %parallel_loop3A_349 {strides = array<i32>} : memref<1x200x64xf32, #tpu.memory_space<vmem>>, vector<1x1x16xf32>,
        %parallel_loop3A_350 = arith.constant 0 : i32
        %parallel_loop3A_351 = arith.index_cast %parallel_loop3A_350 : i32 to index
        %parallel_loop3A_352 = arith.index_cast %parallel_loop3A_317 : i32 to index
        %parallel_loop3A_353 = arith.constant 32 : index
        %parallel_loop3A_354 = tpu.vector_load %arg7[%parallel_loop3A_351, %parallel_loop3A_352, %parallel_loop3A_353] {strides = array<i32>} : memref<1x200x64xf32, #tpu.memory_space<vmem>>, vector<1x1x16xf32>,
        %parallel_loop3A_355 = vector.shape_cast %parallel_loop3A_354 : vector<1x1x16xf32> to vector<16xf32>
        %parallel_loop3A_356 = arith.constant 8.000000e+00 : f32
        %parallel_loop3A_357 = vector.broadcast %parallel_loop3A_356 : f32 to vector<16xf32>
        %parallel_loop3A_358 = arith.mulf %parallel_loop3A_355, %parallel_loop3A_357 : vector<16xf32>
        %parallel_loop3A_359 = arith.constant 0 : i32
        %parallel_loop3A_360 = arith.index_cast %parallel_loop3A_359 : i32 to index
        %parallel_loop3A_361 = arith.index_cast %parallel_loop3A_317 : i32 to index
        %parallel_loop3A_362 = arith.constant 32 : index
        %parallel_loop3A_363 = tpu.vector_load %arg11[%parallel_loop3A_360, %parallel_loop3A_361, %parallel_loop3A_362] {strides = array<i32>} : memref<1x200x64xf32, #tpu.memory_space<vmem>>, vector<1x1x16xf32>,
        %parallel_loop3A_364 = vector.shape_cast %parallel_loop3A_363 : vector<1x1x16xf32> to vector<16xf32>
        %parallel_loop3A_365 = vector.shape_cast %parallel_loop3A_358 : vector<16xf32> to vector<1x1x16xf32>
        tpu.vector_store %arg11[%parallel_loop3A_360, %parallel_loop3A_361, %parallel_loop3A_362], %parallel_loop3A_365 {strides = array<i32>} : memref<1x200x64xf32, #tpu.memory_space<vmem>>, vector<1x1x16xf32>,
        %parallel_loop3A_366 = arith.constant 0 : i32
        %parallel_loop3A_367 = arith.index_cast %parallel_loop3A_366 : i32 to index
        %parallel_loop3A_368 = arith.index_cast %parallel_loop3A_317 : i32 to index
        %parallel_loop3A_369 = arith.constant 48 : index
        %parallel_loop3A_370 = tpu.vector_load %arg7[%parallel_loop3A_367, %parallel_loop3A_368, %parallel_loop3A_369] {strides = array<i32>} : memref<1x200x64xf32, #tpu.memory_space<vmem>>, vector<1x1x16xf32>,
        %parallel_loop3A_371 = vector.shape_cast %parallel_loop3A_370 : vector<1x1x16xf32> to vector<16xf32>
        %parallel_loop3A_372 = arith.constant 8.000000e+00 : f32
        %parallel_loop3A_373 = vector.broadcast %parallel_loop3A_372 : f32 to vector<16xf32>
        %parallel_loop3A_374 = arith.mulf %parallel_loop3A_371, %parallel_loop3A_373 : vector<16xf32>
        %parallel_loop3A_375 = arith.constant 0 : i32
        %parallel_loop3A_376 = arith.index_cast %parallel_loop3A_375 : i32 to index
        %parallel_loop3A_377 = arith.index_cast %parallel_loop3A_317 : i32 to index
        %parallel_loop3A_378 = arith.constant 48 : index
        %parallel_loop3A_379 = tpu.vector_load %arg11[%parallel_loop3A_376, %parallel_loop3A_377, %parallel_loop3A_378] {strides = array<i32>} : memref<1x200x64xf32, #tpu.memory_space<vmem>>, vector<1x1x16xf32>,
        %parallel_loop3A_380 = vector.shape_cast %parallel_loop3A_379 : vector<1x1x16xf32> to vector<16xf32>
        %parallel_loop3A_381 = vector.shape_cast %parallel_loop3A_374 : vector<16xf32> to vector<1x1x16xf32>
        tpu.vector_store %arg11[%parallel_loop3A_376, %parallel_loop3A_377, %parallel_loop3A_378], %parallel_loop3A_381 {strides = array<i32>} : memref<1x200x64xf32, #tpu.memory_space<vmem>>, vector<1x1x16xf32>,
      } {sc.loop_unroll_factor = 8 : i64, sc.parallel_access}
      %add3A_168 = arith.addi %mul3A_2, %add3A_141 : i32
      %dma_start3A_169 = arith.constant 0 : i32
      %dma_start3A_170 = arith.constant 0 : i32
      %dma_start3A_171 = tpu.memref_slice %arg4[%add3A_168, %dma_start3A_169, %dma_start3A_170] : memref<4096x200x64xf32, #tpu.memory_space<hbm>> -> memref<1x200x64xf32, #tpu.memory_space<hbm>>
      %dma_start3A_172 = arith.constant 0 : i32
      %dma_start3A_173 = arith.constant 0 : i32
      %dma_start3A_174 = tpu.memref_slice %arg4[%add3A_168, %dma_start3A_172, %dma_start3A_173] : memref<4096x200x64xf32, #tpu.memory_space<hbm>> -> memref<1x200x64xf32, #tpu.memory_space<hbm>>
      tpu.enqueue_dma source(%arg11 : memref<1x200x64xf32, #tpu.memory_space<vmem>>) target(%dma_start3A_174 : memref<1x200x64xf32, #tpu.memory_space<hbm>>) target_semaphore(%arg19 : memref<!tpu.dma_semaphore, #tpu.memory_space<semaphore_mem>>)
      %lt3A = arith.constant 31 : i32
      %lt3A_175 = arith.cmpi slt, %add3A_137, %lt3A : i32
      %convert_element_type3A_176 = arith.extui %lt3A_175 : i1 to i32
      %cond3A_177 = arith.constant 0 : i32
      %cond3A_178 = arith.cmpi ne, %convert_element_type3A_176, %cond3A_177 : i32
      scf.if %cond3A_178 {
        %add3A_317 = arith.constant 4 : i32
        %add3A_318 = arith.addi %add3A_141, %add3A_317 : i32
        %dma_start3A_319 = arith.constant 0 : i32
        %dma_start3A_320 = arith.constant 0 : i32
        %dma_start3A_321 = arith.constant 0 : i32
        %dma_start3A_322 = tpu.memref_slice %arg7[%dma_start3A_319, %dma_start3A_320, %dma_start3A_321] : memref<1x200x64xf32, #tpu.memory_space<vmem>> -> memref<1x128x64xf32, #tpu.memory_space<vmem>>
        %dma_start3A_323 = tpu.memref_squeeze %dma_start3A_322 : memref<1x128x64xf32, #tpu.memory_space<vmem>> -> memref<128x64xf32, #tpu.memory_space<vmem>>
        %dma_start3A_324 = arith.constant 0 : i32
        %dma_start3A_325 = tpu.memref_slice %arg5[%add3A_318, %dma_start3A_324] : memref<128x128xi32, #tpu.memory_space<vmem>> -> memref<1x128xi32, #tpu.memory_space<vmem>>
        %dma_start3A_326 = tpu.memref_squeeze %dma_start3A_325 : memref<1x128xi32, #tpu.memory_space<vmem>> -> memref<128xi32, #tpu.memory_space<vmem>>
        %dma_start3A_327 = arith.constant 0 : i32
        %dma_start3A_328 = arith.constant 0 : i32
        %dma_start3A_329 = tpu.memref_slice %arg3[%dma_start3A_327, %dma_start3A_328] : memref<1000000x64xf32, #tpu.memory_space<hbm>> -> memref<1000000x64xf32, #tpu.memory_space<hbm>>
        tpu.enqueue_indirect_dma source(%dma_start3A_329 : memref<1000000x64xf32, #tpu.memory_space<hbm>>) target(%dma_start3A_323 : memref<128x64xf32, #tpu.memory_space<vmem>>) offsets(%dma_start3A_326 : memref<128xi32, #tpu.memory_space<vmem>>) semaphore(%arg15 : memref<!tpu.dma_semaphore, #tpu.memory_space<semaphore_mem>>)
        %dma_start3A_330 = arith.constant 0 : i32
        %dma_start3A_331 = arith.constant 128 : i32
        %dma_start3A_332 = arith.constant 0 : i32
        %dma_start3A_333 = tpu.memref_slice %arg7[%dma_start3A_330, %dma_start3A_331, %dma_start3A_332] : memref<1x200x64xf32, #tpu.memory_space<vmem>> -> memref<1x72x64xf32, #tpu.memory_space<vmem>>
        %dma_start3A_334 = tpu.memref_squeeze %dma_start3A_333 : memref<1x72x64xf32, #tpu.memory_space<vmem>> -> memref<72x64xf32, #tpu.memory_space<vmem>>
        %dma_start3A_335 = arith.constant 0 : i32
        %dma_start3A_336 = tpu.memref_slice %arg6[%add3A_318, %dma_start3A_335] : memref<128x72xi32, #tpu.memory_space<vmem>> -> memref<1x72xi32, #tpu.memory_space<vmem>>
        %dma_start3A_337 = tpu.memref_squeeze %dma_start3A_336 : memref<1x72xi32, #tpu.memory_space<vmem>> -> memref<72xi32, #tpu.memory_space<vmem>>
        %dma_start3A_338 = arith.constant 0 : i32
        %dma_start3A_339 = arith.constant 0 : i32
        %dma_start3A_340 = tpu.memref_slice %arg3[%dma_start3A_338, %dma_start3A_339] : memref<1000000x64xf32, #tpu.memory_space<hbm>> -> memref<1000000x64xf32, #tpu.memory_space<hbm>>
        tpu.enqueue_indirect_dma source(%dma_start3A_340 : memref<1000000x64xf32, #tpu.memory_space<hbm>>) target(%dma_start3A_334 : memref<72x64xf32, #tpu.memory_space<vmem>>) offsets(%dma_start3A_337 : memref<72xi32, #tpu.memory_space<vmem>>) semaphore(%arg15 : memref<!tpu.dma_semaphore, #tpu.memory_space<semaphore_mem>>)
      } else {
      }
      %mul3A_179 = arith.constant 4 : i32
      %mul3A_180 = arith.muli %add3A_137, %mul3A_179 : i32
      %add3A_181 = arith.constant 1 : i32
      %add3A_182 = arith.addi %mul3A_180, %add3A_181 : i32
      %dma_wait3A_183 = arith.constant 0 : i32
      %dma_wait3A_184 = arith.constant 0 : i32
      %dma_wait3A_185 = arith.constant 0 : i32
      %dma_wait3A_186 = tpu.memref_slice %arg8[%dma_wait3A_183, %dma_wait3A_184, %dma_wait3A_185] : memref<1x200x64xf32, #tpu.memory_space<vmem>> -> memref<1x128x64xf32, #tpu.memory_space<vmem>>
      %dma_wait3A_187 = tpu.memref_squeeze %dma_wait3A_186 : memref<1x128x64xf32, #tpu.memory_space<vmem>> -> memref<128x64xf32, #tpu.memory_space<vmem>>
      %dma_wait3A_188 = arith.constant 0 : i32
      %dma_wait3A_189 = tpu.memref_slice %arg5[%add3A_182, %dma_wait3A_188] : memref<128x128xi32, #tpu.memory_space<vmem>> -> memref<1x128xi32, #tpu.memory_space<vmem>>
      %dma_wait3A_190 = tpu.memref_squeeze %dma_wait3A_189 : memref<1x128xi32, #tpu.memory_space<vmem>> -> memref<128xi32, #tpu.memory_space<vmem>>
      %dma_wait3A_191 = arith.constant 0 : i32
      %dma_wait3A_192 = arith.constant 0 : i32
      %dma_wait3A_193 = tpu.memref_slice %arg3[%dma_wait3A_191, %dma_wait3A_192] : memref<1000000x64xf32, #tpu.memory_space<hbm>> -> memref<1000000x64xf32, #tpu.memory_space<hbm>>
      tpu.wait_indirect_dma semaphore(%arg16 : memref<!tpu.dma_semaphore, #tpu.memory_space<semaphore_mem>>) src(%dma_wait3A_193 : memref<1000000x64xf32, #tpu.memory_space<hbm>>) dst(%dma_wait3A_187 : memref<128x64xf32, #tpu.memory_space<vmem>>)
      %dma_wait3A_194 = arith.constant 0 : i32
      %dma_wait3A_195 = arith.constant 128 : i32
      %dma_wait3A_196 = arith.constant 0 : i32
      %dma_wait3A_197 = tpu.memref_slice %arg8[%dma_wait3A_194, %dma_wait3A_195, %dma_wait3A_196] : memref<1x200x64xf32, #tpu.memory_space<vmem>> -> memref<1x72x64xf32, #tpu.memory_space<vmem>>
      %dma_wait3A_198 = tpu.memref_squeeze %dma_wait3A_197 : memref<1x72x64xf32, #tpu.memory_space<vmem>> -> memref<72x64xf32, #tpu.memory_space<vmem>>
      %dma_wait3A_199 = arith.constant 0 : i32
      %dma_wait3A_200 = tpu.memref_slice %arg6[%add3A_182, %dma_wait3A_199] : memref<128x72xi32, #tpu.memory_space<vmem>> -> memref<1x72xi32, #tpu.memory_space<vmem>>
      %dma_wait3A_201 = tpu.memref_squeeze %dma_wait3A_200 : memref<1x72xi32, #tpu.memory_space<vmem>> -> memref<72xi32, #tpu.memory_space<vmem>>
      %dma_wait3A_202 = arith.constant 0 : i32
      %dma_wait3A_203 = arith.constant 0 : i32
      %dma_wait3A_204 = tpu.memref_slice %arg3[%dma_wait3A_202, %dma_wait3A_203] : memref<1000000x64xf32, #tpu.memory_space<hbm>> -> memref<1000000x64xf32, #tpu.memory_space<hbm>>
      tpu.wait_indirect_dma semaphore(%arg16 : memref<!tpu.dma_semaphore, #tpu.memory_space<semaphore_mem>>) src(%dma_wait3A_204 : memref<1000000x64xf32, #tpu.memory_space<hbm>>) dst(%dma_wait3A_198 : memref<72x64xf32, #tpu.memory_space<vmem>>)
      %gt3A_205 = arith.constant 0 : i32
      %gt3A_206 = arith.cmpi sgt, %add3A_137, %gt3A_205 : i32
      %convert_element_type3A_207 = arith.extui %gt3A_206 : i1 to i32
      %cond3A_208 = arith.constant 0 : i32
      %cond3A_209 = arith.cmpi ne, %convert_element_type3A_207, %cond3A_208 : i32
      scf.if %cond3A_209 {
        %add3A_317 = arith.addi %mul3A_2, %add3A_182 : i32
        %dma_wait3A_318 = arith.constant 0 : i32
        %dma_wait3A_319 = arith.constant 0 : i32
        %dma_wait3A_320 = tpu.memref_slice %arg4[%add3A_317, %dma_wait3A_318, %dma_wait3A_319] : memref<4096x200x64xf32, #tpu.memory_space<hbm>> -> memref<1x200x64xf32, #tpu.memory_space<hbm>>
        %dma_wait3A_321 = arith.constant 0 : i32
        %dma_wait3A_322 = arith.constant 0 : i32
        %dma_wait3A_323 = tpu.memref_slice %arg4[%add3A_317, %dma_wait3A_321, %dma_wait3A_322] : memref<4096x200x64xf32, #tpu.memory_space<hbm>> -> memref<1x200x64xf32, #tpu.memory_space<hbm>>
        tpu.wait_dma2 semaphore(%arg20 : memref<!tpu.dma_semaphore, #tpu.memory_space<semaphore_mem>>) src(%arg12 : memref<1x200x64xf32, #tpu.memory_space<vmem>>) dst(%dma_wait3A_323 : memref<1x200x64xf32, #tpu.memory_space<hbm>>)
      } else {
      }
      %parallel_loop3A_210 = arith.constant 0 : i32
      %parallel_loop3A_211 = arith.constant 200 : i32
      %parallel_loop3A_212 = arith.constant 1 : i32
      scf.for %parallel_loop3A_317 = %parallel_loop3A_210 to %parallel_loop3A_211 step %parallel_loop3A_212  : i32 {
        %parallel_loop3A_318 = arith.constant 0 : i32
        %parallel_loop3A_319 = arith.index_cast %parallel_loop3A_318 : i32 to index
        %parallel_loop3A_320 = arith.index_cast %parallel_loop3A_317 : i32 to index
        %parallel_loop3A_321 = arith.constant 0 : index
        %parallel_loop3A_322 = tpu.vector_load %arg8[%parallel_loop3A_319, %parallel_loop3A_320, %parallel_loop3A_321] {strides = array<i32>} : memref<1x200x64xf32, #tpu.memory_space<vmem>>, vector<1x1x16xf32>,
        %parallel_loop3A_323 = vector.shape_cast %parallel_loop3A_322 : vector<1x1x16xf32> to vector<16xf32>
        %parallel_loop3A_324 = arith.constant 8.000000e+00 : f32
        %parallel_loop3A_325 = vector.broadcast %parallel_loop3A_324 : f32 to vector<16xf32>
        %parallel_loop3A_326 = arith.mulf %parallel_loop3A_323, %parallel_loop3A_325 : vector<16xf32>
        %parallel_loop3A_327 = arith.constant 0 : i32
        %parallel_loop3A_328 = arith.index_cast %parallel_loop3A_327 : i32 to index
        %parallel_loop3A_329 = arith.index_cast %parallel_loop3A_317 : i32 to index
        %parallel_loop3A_330 = arith.constant 0 : index
        %parallel_loop3A_331 = tpu.vector_load %arg12[%parallel_loop3A_328, %parallel_loop3A_329, %parallel_loop3A_330] {strides = array<i32>} : memref<1x200x64xf32, #tpu.memory_space<vmem>>, vector<1x1x16xf32>,
        %parallel_loop3A_332 = vector.shape_cast %parallel_loop3A_331 : vector<1x1x16xf32> to vector<16xf32>
        %parallel_loop3A_333 = vector.shape_cast %parallel_loop3A_326 : vector<16xf32> to vector<1x1x16xf32>
        tpu.vector_store %arg12[%parallel_loop3A_328, %parallel_loop3A_329, %parallel_loop3A_330], %parallel_loop3A_333 {strides = array<i32>} : memref<1x200x64xf32, #tpu.memory_space<vmem>>, vector<1x1x16xf32>,
        %parallel_loop3A_334 = arith.constant 0 : i32
        %parallel_loop3A_335 = arith.index_cast %parallel_loop3A_334 : i32 to index
        %parallel_loop3A_336 = arith.index_cast %parallel_loop3A_317 : i32 to index
        %parallel_loop3A_337 = arith.constant 16 : index
        %parallel_loop3A_338 = tpu.vector_load %arg8[%parallel_loop3A_335, %parallel_loop3A_336, %parallel_loop3A_337] {strides = array<i32>} : memref<1x200x64xf32, #tpu.memory_space<vmem>>, vector<1x1x16xf32>,
        %parallel_loop3A_339 = vector.shape_cast %parallel_loop3A_338 : vector<1x1x16xf32> to vector<16xf32>
        %parallel_loop3A_340 = arith.constant 8.000000e+00 : f32
        %parallel_loop3A_341 = vector.broadcast %parallel_loop3A_340 : f32 to vector<16xf32>
        %parallel_loop3A_342 = arith.mulf %parallel_loop3A_339, %parallel_loop3A_341 : vector<16xf32>
        %parallel_loop3A_343 = arith.constant 0 : i32
        %parallel_loop3A_344 = arith.index_cast %parallel_loop3A_343 : i32 to index
        %parallel_loop3A_345 = arith.index_cast %parallel_loop3A_317 : i32 to index
        %parallel_loop3A_346 = arith.constant 16 : index
        %parallel_loop3A_347 = tpu.vector_load %arg12[%parallel_loop3A_344, %parallel_loop3A_345, %parallel_loop3A_346] {strides = array<i32>} : memref<1x200x64xf32, #tpu.memory_space<vmem>>, vector<1x1x16xf32>,
        %parallel_loop3A_348 = vector.shape_cast %parallel_loop3A_347 : vector<1x1x16xf32> to vector<16xf32>
        %parallel_loop3A_349 = vector.shape_cast %parallel_loop3A_342 : vector<16xf32> to vector<1x1x16xf32>
        tpu.vector_store %arg12[%parallel_loop3A_344, %parallel_loop3A_345, %parallel_loop3A_346], %parallel_loop3A_349 {strides = array<i32>} : memref<1x200x64xf32, #tpu.memory_space<vmem>>, vector<1x1x16xf32>,
        %parallel_loop3A_350 = arith.constant 0 : i32
        %parallel_loop3A_351 = arith.index_cast %parallel_loop3A_350 : i32 to index
        %parallel_loop3A_352 = arith.index_cast %parallel_loop3A_317 : i32 to index
        %parallel_loop3A_353 = arith.constant 32 : index
        %parallel_loop3A_354 = tpu.vector_load %arg8[%parallel_loop3A_351, %parallel_loop3A_352, %parallel_loop3A_353] {strides = array<i32>} : memref<1x200x64xf32, #tpu.memory_space<vmem>>, vector<1x1x16xf32>,
        %parallel_loop3A_355 = vector.shape_cast %parallel_loop3A_354 : vector<1x1x16xf32> to vector<16xf32>
        %parallel_loop3A_356 = arith.constant 8.000000e+00 : f32
        %parallel_loop3A_357 = vector.broadcast %parallel_loop3A_356 : f32 to vector<16xf32>
        %parallel_loop3A_358 = arith.mulf %parallel_loop3A_355, %parallel_loop3A_357 : vector<16xf32>
        %parallel_loop3A_359 = arith.constant 0 : i32
        %parallel_loop3A_360 = arith.index_cast %parallel_loop3A_359 : i32 to index
        %parallel_loop3A_361 = arith.index_cast %parallel_loop3A_317 : i32 to index
        %parallel_loop3A_362 = arith.constant 32 : index
        %parallel_loop3A_363 = tpu.vector_load %arg12[%parallel_loop3A_360, %parallel_loop3A_361, %parallel_loop3A_362] {strides = array<i32>} : memref<1x200x64xf32, #tpu.memory_space<vmem>>, vector<1x1x16xf32>,
        %parallel_loop3A_364 = vector.shape_cast %parallel_loop3A_363 : vector<1x1x16xf32> to vector<16xf32>
        %parallel_loop3A_365 = vector.shape_cast %parallel_loop3A_358 : vector<16xf32> to vector<1x1x16xf32>
        tpu.vector_store %arg12[%parallel_loop3A_360, %parallel_loop3A_361, %parallel_loop3A_362], %parallel_loop3A_365 {strides = array<i32>} : memref<1x200x64xf32, #tpu.memory_space<vmem>>, vector<1x1x16xf32>,
        %parallel_loop3A_366 = arith.constant 0 : i32
        %parallel_loop3A_367 = arith.index_cast %parallel_loop3A_366 : i32 to index
        %parallel_loop3A_368 = arith.index_cast %parallel_loop3A_317 : i32 to index
        %parallel_loop3A_369 = arith.constant 48 : index
        %parallel_loop3A_370 = tpu.vector_load %arg8[%parallel_loop3A_367, %parallel_loop3A_368, %parallel_loop3A_369] {strides = array<i32>} : memref<1x200x64xf32, #tpu.memory_space<vmem>>, vector<1x1x16xf32>,
        %parallel_loop3A_371 = vector.shape_cast %parallel_loop3A_370 : vector<1x1x16xf32> to vector<16xf32>
        %parallel_loop3A_372 = arith.constant 8.000000e+00 : f32
        %parallel_loop3A_373 = vector.broadcast %parallel_loop3A_372 : f32 to vector<16xf32>
        %parallel_loop3A_374 = arith.mulf %parallel_loop3A_371, %parallel_loop3A_373 : vector<16xf32>
        %parallel_loop3A_375 = arith.constant 0 : i32
        %parallel_loop3A_376 = arith.index_cast %parallel_loop3A_375 : i32 to index
        %parallel_loop3A_377 = arith.index_cast %parallel_loop3A_317 : i32 to index
        %parallel_loop3A_378 = arith.constant 48 : index
        %parallel_loop3A_379 = tpu.vector_load %arg12[%parallel_loop3A_376, %parallel_loop3A_377, %parallel_loop3A_378] {strides = array<i32>} : memref<1x200x64xf32, #tpu.memory_space<vmem>>, vector<1x1x16xf32>,
        %parallel_loop3A_380 = vector.shape_cast %parallel_loop3A_379 : vector<1x1x16xf32> to vector<16xf32>
        %parallel_loop3A_381 = vector.shape_cast %parallel_loop3A_374 : vector<16xf32> to vector<1x1x16xf32>
        tpu.vector_store %arg12[%parallel_loop3A_376, %parallel_loop3A_377, %parallel_loop3A_378], %parallel_loop3A_381 {strides = array<i32>} : memref<1x200x64xf32, #tpu.memory_space<vmem>>, vector<1x1x16xf32>,
      } {sc.loop_unroll_factor = 8 : i64, sc.parallel_access}
      %add3A_213 = arith.addi %mul3A_2, %add3A_182 : i32
      %dma_start3A_214 = arith.constant 0 : i32
      %dma_start3A_215 = arith.constant 0 : i32
      %dma_start3A_216 = tpu.memref_slice %arg4[%add3A_213, %dma_start3A_214, %dma_start3A_215] : memref<4096x200x64xf32, #tpu.memory_space<hbm>> -> memref<1x200x64xf32, #tpu.memory_space<hbm>>
      %dma_start3A_217 = arith.constant 0 : i32
      %dma_start3A_218 = arith.constant 0 : i32
      %dma_start3A_219 = tpu.memref_slice %arg4[%add3A_213, %dma_start3A_217, %dma_start3A_218] : memref<4096x200x64xf32, #tpu.memory_space<hbm>> -> memref<1x200x64xf32, #tpu.memory_space<hbm>>
      tpu.enqueue_dma source(%arg12 : memref<1x200x64xf32, #tpu.memory_space<vmem>>) target(%dma_start3A_219 : memref<1x200x64xf32, #tpu.memory_space<hbm>>) target_semaphore(%arg20 : memref<!tpu.dma_semaphore, #tpu.memory_space<semaphore_mem>>)
      %lt3A_220 = arith.constant 31 : i32
      %lt3A_221 = arith.cmpi slt, %add3A_137, %lt3A_220 : i32
      %convert_element_type3A_222 = arith.extui %lt3A_221 : i1 to i32
      %cond3A_223 = arith.constant 0 : i32
      %cond3A_224 = arith.cmpi ne, %convert_element_type3A_222, %cond3A_223 : i32
      scf.if %cond3A_224 {
        %add3A_317 = arith.constant 4 : i32
        %add3A_318 = arith.addi %add3A_182, %add3A_317 : i32
        %dma_start3A_319 = arith.constant 0 : i32
        %dma_start3A_320 = arith.constant 0 : i32
        %dma_start3A_321 = arith.constant 0 : i32
        %dma_start3A_322 = tpu.memref_slice %arg8[%dma_start3A_319, %dma_start3A_320, %dma_start3A_321] : memref<1x200x64xf32, #tpu.memory_space<vmem>> -> memref<1x128x64xf32, #tpu.memory_space<vmem>>
        %dma_start3A_323 = tpu.memref_squeeze %dma_start3A_322 : memref<1x128x64xf32, #tpu.memory_space<vmem>> -> memref<128x64xf32, #tpu.memory_space<vmem>>
        %dma_start3A_324 = arith.constant 0 : i32
        %dma_start3A_325 = tpu.memref_slice %arg5[%add3A_318, %dma_start3A_324] : memref<128x128xi32, #tpu.memory_space<vmem>> -> memref<1x128xi32, #tpu.memory_space<vmem>>
        %dma_start3A_326 = tpu.memref_squeeze %dma_start3A_325 : memref<1x128xi32, #tpu.memory_space<vmem>> -> memref<128xi32, #tpu.memory_space<vmem>>
        %dma_start3A_327 = arith.constant 0 : i32
        %dma_start3A_328 = arith.constant 0 : i32
        %dma_start3A_329 = tpu.memref_slice %arg3[%dma_start3A_327, %dma_start3A_328] : memref<1000000x64xf32, #tpu.memory_space<hbm>> -> memref<1000000x64xf32, #tpu.memory_space<hbm>>
        tpu.enqueue_indirect_dma source(%dma_start3A_329 : memref<1000000x64xf32, #tpu.memory_space<hbm>>) target(%dma_start3A_323 : memref<128x64xf32, #tpu.memory_space<vmem>>) offsets(%dma_start3A_326 : memref<128xi32, #tpu.memory_space<vmem>>) semaphore(%arg16 : memref<!tpu.dma_semaphore, #tpu.memory_space<semaphore_mem>>)
        %dma_start3A_330 = arith.constant 0 : i32
        %dma_start3A_331 = arith.constant 128 : i32
        %dma_start3A_332 = arith.constant 0 : i32
        %dma_start3A_333 = tpu.memref_slice %arg8[%dma_start3A_330, %dma_start3A_331, %dma_start3A_332] : memref<1x200x64xf32, #tpu.memory_space<vmem>> -> memref<1x72x64xf32, #tpu.memory_space<vmem>>
        %dma_start3A_334 = tpu.memref_squeeze %dma_start3A_333 : memref<1x72x64xf32, #tpu.memory_space<vmem>> -> memref<72x64xf32, #tpu.memory_space<vmem>>
        %dma_start3A_335 = arith.constant 0 : i32
        %dma_start3A_336 = tpu.memref_slice %arg6[%add3A_318, %dma_start3A_335] : memref<128x72xi32, #tpu.memory_space<vmem>> -> memref<1x72xi32, #tpu.memory_space<vmem>>
        %dma_start3A_337 = tpu.memref_squeeze %dma_start3A_336 : memref<1x72xi32, #tpu.memory_space<vmem>> -> memref<72xi32, #tpu.memory_space<vmem>>
        %dma_start3A_338 = arith.constant 0 : i32
        %dma_start3A_339 = arith.constant 0 : i32
        %dma_start3A_340 = tpu.memref_slice %arg3[%dma_start3A_338, %dma_start3A_339] : memref<1000000x64xf32, #tpu.memory_space<hbm>> -> memref<1000000x64xf32, #tpu.memory_space<hbm>>
        tpu.enqueue_indirect_dma source(%dma_start3A_340 : memref<1000000x64xf32, #tpu.memory_space<hbm>>) target(%dma_start3A_334 : memref<72x64xf32, #tpu.memory_space<vmem>>) offsets(%dma_start3A_337 : memref<72xi32, #tpu.memory_space<vmem>>) semaphore(%arg16 : memref<!tpu.dma_semaphore, #tpu.memory_space<semaphore_mem>>)
      } else {
      }
      %mul3A_225 = arith.constant 4 : i32
      %mul3A_226 = arith.muli %add3A_137, %mul3A_225 : i32
      %add3A_227 = arith.constant 2 : i32
      %add3A_228 = arith.addi %mul3A_226, %add3A_227 : i32
      %dma_wait3A_229 = arith.constant 0 : i32
      %dma_wait3A_230 = arith.constant 0 : i32
      %dma_wait3A_231 = arith.constant 0 : i32
      %dma_wait3A_232 = tpu.memref_slice %arg9[%dma_wait3A_229, %dma_wait3A_230, %dma_wait3A_231] : memref<1x200x64xf32, #tpu.memory_space<vmem>> -> memref<1x128x64xf32, #tpu.memory_space<vmem>>
      %dma_wait3A_233 = tpu.memref_squeeze %dma_wait3A_232 : memref<1x128x64xf32, #tpu.memory_space<vmem>> -> memref<128x64xf32, #tpu.memory_space<vmem>>
      %dma_wait3A_234 = arith.constant 0 : i32
      %dma_wait3A_235 = tpu.memref_slice %arg5[%add3A_228, %dma_wait3A_234] : memref<128x128xi32, #tpu.memory_space<vmem>> -> memref<1x128xi32, #tpu.memory_space<vmem>>
      %dma_wait3A_236 = tpu.memref_squeeze %dma_wait3A_235 : memref<1x128xi32, #tpu.memory_space<vmem>> -> memref<128xi32, #tpu.memory_space<vmem>>
      %dma_wait3A_237 = arith.constant 0 : i32
      %dma_wait3A_238 = arith.constant 0 : i32
      %dma_wait3A_239 = tpu.memref_slice %arg3[%dma_wait3A_237, %dma_wait3A_238] : memref<1000000x64xf32, #tpu.memory_space<hbm>> -> memref<1000000x64xf32, #tpu.memory_space<hbm>>
      tpu.wait_indirect_dma semaphore(%arg17 : memref<!tpu.dma_semaphore, #tpu.memory_space<semaphore_mem>>) src(%dma_wait3A_239 : memref<1000000x64xf32, #tpu.memory_space<hbm>>) dst(%dma_wait3A_233 : memref<128x64xf32, #tpu.memory_space<vmem>>)
      %dma_wait3A_240 = arith.constant 0 : i32
      %dma_wait3A_241 = arith.constant 128 : i32
      %dma_wait3A_242 = arith.constant 0 : i32
      %dma_wait3A_243 = tpu.memref_slice %arg9[%dma_wait3A_240, %dma_wait3A_241, %dma_wait3A_242] : memref<1x200x64xf32, #tpu.memory_space<vmem>> -> memref<1x72x64xf32, #tpu.memory_space<vmem>>
      %dma_wait3A_244 = tpu.memref_squeeze %dma_wait3A_243 : memref<1x72x64xf32, #tpu.memory_space<vmem>> -> memref<72x64xf32, #tpu.memory_space<vmem>>
      %dma_wait3A_245 = arith.constant 0 : i32
      %dma_wait3A_246 = tpu.memref_slice %arg6[%add3A_228, %dma_wait3A_245] : memref<128x72xi32, #tpu.memory_space<vmem>> -> memref<1x72xi32, #tpu.memory_space<vmem>>
      %dma_wait3A_247 = tpu.memref_squeeze %dma_wait3A_246 : memref<1x72xi32, #tpu.memory_space<vmem>> -> memref<72xi32, #tpu.memory_space<vmem>>
      %dma_wait3A_248 = arith.constant 0 : i32
      %dma_wait3A_249 = arith.constant 0 : i32
      %dma_wait3A_250 = tpu.memref_slice %arg3[%dma_wait3A_248, %dma_wait3A_249] : memref<1000000x64xf32, #tpu.memory_space<hbm>> -> memref<1000000x64xf32, #tpu.memory_space<hbm>>
      tpu.wait_indirect_dma semaphore(%arg17 : memref<!tpu.dma_semaphore, #tpu.memory_space<semaphore_mem>>) src(%dma_wait3A_250 : memref<1000000x64xf32, #tpu.memory_space<hbm>>) dst(%dma_wait3A_244 : memref<72x64xf32, #tpu.memory_space<vmem>>)
      %gt3A_251 = arith.constant 0 : i32
      %gt3A_252 = arith.cmpi sgt, %add3A_137, %gt3A_251 : i32
      %convert_element_type3A_253 = arith.extui %gt3A_252 : i1 to i32
      %cond3A_254 = arith.constant 0 : i32
      %cond3A_255 = arith.cmpi ne, %convert_element_type3A_253, %cond3A_254 : i32
      scf.if %cond3A_255 {
        %add3A_317 = arith.addi %mul3A_2, %add3A_228 : i32
        %dma_wait3A_318 = arith.constant 0 : i32
        %dma_wait3A_319 = arith.constant 0 : i32
        %dma_wait3A_320 = tpu.memref_slice %arg4[%add3A_317, %dma_wait3A_318, %dma_wait3A_319] : memref<4096x200x64xf32, #tpu.memory_space<hbm>> -> memref<1x200x64xf32, #tpu.memory_space<hbm>>
        %dma_wait3A_321 = arith.constant 0 : i32
        %dma_wait3A_322 = arith.constant 0 : i32
        %dma_wait3A_323 = tpu.memref_slice %arg4[%add3A_317, %dma_wait3A_321, %dma_wait3A_322] : memref<4096x200x64xf32, #tpu.memory_space<hbm>> -> memref<1x200x64xf32, #tpu.memory_space<hbm>>
        tpu.wait_dma2 semaphore(%arg21 : memref<!tpu.dma_semaphore, #tpu.memory_space<semaphore_mem>>) src(%arg13 : memref<1x200x64xf32, #tpu.memory_space<vmem>>) dst(%dma_wait3A_323 : memref<1x200x64xf32, #tpu.memory_space<hbm>>)
      } else {
      }
      %parallel_loop3A_256 = arith.constant 0 : i32
      %parallel_loop3A_257 = arith.constant 200 : i32
      %parallel_loop3A_258 = arith.constant 1 : i32
      scf.for %parallel_loop3A_317 = %parallel_loop3A_256 to %parallel_loop3A_257 step %parallel_loop3A_258  : i32 {
        %parallel_loop3A_318 = arith.constant 0 : i32
        %parallel_loop3A_319 = arith.index_cast %parallel_loop3A_318 : i32 to index
        %parallel_loop3A_320 = arith.index_cast %parallel_loop3A_317 : i32 to index
        %parallel_loop3A_321 = arith.constant 0 : index
        %parallel_loop3A_322 = tpu.vector_load %arg9[%parallel_loop3A_319, %parallel_loop3A_320, %parallel_loop3A_321] {strides = array<i32>} : memref<1x200x64xf32, #tpu.memory_space<vmem>>, vector<1x1x16xf32>,
        %parallel_loop3A_323 = vector.shape_cast %parallel_loop3A_322 : vector<1x1x16xf32> to vector<16xf32>
        %parallel_loop3A_324 = arith.constant 8.000000e+00 : f32
        %parallel_loop3A_325 = vector.broadcast %parallel_loop3A_324 : f32 to vector<16xf32>
        %parallel_loop3A_326 = arith.mulf %parallel_loop3A_323, %parallel_loop3A_325 : vector<16xf32>
        %parallel_loop3A_327 = arith.constant 0 : i32
        %parallel_loop3A_328 = arith.index_cast %parallel_loop3A_327 : i32 to index
        %parallel_loop3A_329 = arith.index_cast %parallel_loop3A_317 : i32 to index
        %parallel_loop3A_330 = arith.constant 0 : index
        %parallel_loop3A_331 = tpu.vector_load %arg13[%parallel_loop3A_328, %parallel_loop3A_329, %parallel_loop3A_330] {strides = array<i32>} : memref<1x200x64xf32, #tpu.memory_space<vmem>>, vector<1x1x16xf32>,
        %parallel_loop3A_332 = vector.shape_cast %parallel_loop3A_331 : vector<1x1x16xf32> to vector<16xf32>
        %parallel_loop3A_333 = vector.shape_cast %parallel_loop3A_326 : vector<16xf32> to vector<1x1x16xf32>
        tpu.vector_store %arg13[%parallel_loop3A_328, %parallel_loop3A_329, %parallel_loop3A_330], %parallel_loop3A_333 {strides = array<i32>} : memref<1x200x64xf32, #tpu.memory_space<vmem>>, vector<1x1x16xf32>,
        %parallel_loop3A_334 = arith.constant 0 : i32
        %parallel_loop3A_335 = arith.index_cast %parallel_loop3A_334 : i32 to index
        %parallel_loop3A_336 = arith.index_cast %parallel_loop3A_317 : i32 to index
        %parallel_loop3A_337 = arith.constant 16 : index
        %parallel_loop3A_338 = tpu.vector_load %arg9[%parallel_loop3A_335, %parallel_loop3A_336, %parallel_loop3A_337] {strides = array<i32>} : memref<1x200x64xf32, #tpu.memory_space<vmem>>, vector<1x1x16xf32>,
        %parallel_loop3A_339 = vector.shape_cast %parallel_loop3A_338 : vector<1x1x16xf32> to vector<16xf32>
        %parallel_loop3A_340 = arith.constant 8.000000e+00 : f32
        %parallel_loop3A_341 = vector.broadcast %parallel_loop3A_340 : f32 to vector<16xf32>
        %parallel_loop3A_342 = arith.mulf %parallel_loop3A_339, %parallel_loop3A_341 : vector<16xf32>
        %parallel_loop3A_343 = arith.constant 0 : i32
        %parallel_loop3A_344 = arith.index_cast %parallel_loop3A_343 : i32 to index
        %parallel_loop3A_345 = arith.index_cast %parallel_loop3A_317 : i32 to index
        %parallel_loop3A_346 = arith.constant 16 : index
        %parallel_loop3A_347 = tpu.vector_load %arg13[%parallel_loop3A_344, %parallel_loop3A_345, %parallel_loop3A_346] {strides = array<i32>} : memref<1x200x64xf32, #tpu.memory_space<vmem>>, vector<1x1x16xf32>,
        %parallel_loop3A_348 = vector.shape_cast %parallel_loop3A_347 : vector<1x1x16xf32> to vector<16xf32>
        %parallel_loop3A_349 = vector.shape_cast %parallel_loop3A_342 : vector<16xf32> to vector<1x1x16xf32>
        tpu.vector_store %arg13[%parallel_loop3A_344, %parallel_loop3A_345, %parallel_loop3A_346], %parallel_loop3A_349 {strides = array<i32>} : memref<1x200x64xf32, #tpu.memory_space<vmem>>, vector<1x1x16xf32>,
        %parallel_loop3A_350 = arith.constant 0 : i32
        %parallel_loop3A_351 = arith.index_cast %parallel_loop3A_350 : i32 to index
        %parallel_loop3A_352 = arith.index_cast %parallel_loop3A_317 : i32 to index
        %parallel_loop3A_353 = arith.constant 32 : index
        %parallel_loop3A_354 = tpu.vector_load %arg9[%parallel_loop3A_351, %parallel_loop3A_352, %parallel_loop3A_353] {strides = array<i32>} : memref<1x200x64xf32, #tpu.memory_space<vmem>>, vector<1x1x16xf32>,
        %parallel_loop3A_355 = vector.shape_cast %parallel_loop3A_354 : vector<1x1x16xf32> to vector<16xf32>
        %parallel_loop3A_356 = arith.constant 8.000000e+00 : f32
        %parallel_loop3A_357 = vector.broadcast %parallel_loop3A_356 : f32 to vector<16xf32>
        %parallel_loop3A_358 = arith.mulf %parallel_loop3A_355, %parallel_loop3A_357 : vector<16xf32>
        %parallel_loop3A_359 = arith.constant 0 : i32
        %parallel_loop3A_360 = arith.index_cast %parallel_loop3A_359 : i32 to index
        %parallel_loop3A_361 = arith.index_cast %parallel_loop3A_317 : i32 to index
        %parallel_loop3A_362 = arith.constant 32 : index
        %parallel_loop3A_363 = tpu.vector_load %arg13[%parallel_loop3A_360, %parallel_loop3A_361, %parallel_loop3A_362] {strides = array<i32>} : memref<1x200x64xf32, #tpu.memory_space<vmem>>, vector<1x1x16xf32>,
        %parallel_loop3A_364 = vector.shape_cast %parallel_loop3A_363 : vector<1x1x16xf32> to vector<16xf32>
        %parallel_loop3A_365 = vector.shape_cast %parallel_loop3A_358 : vector<16xf32> to vector<1x1x16xf32>
        tpu.vector_store %arg13[%parallel_loop3A_360, %parallel_loop3A_361, %parallel_loop3A_362], %parallel_loop3A_365 {strides = array<i32>} : memref<1x200x64xf32, #tpu.memory_space<vmem>>, vector<1x1x16xf32>,
        %parallel_loop3A_366 = arith.constant 0 : i32
        %parallel_loop3A_367 = arith.index_cast %parallel_loop3A_366 : i32 to index
        %parallel_loop3A_368 = arith.index_cast %parallel_loop3A_317 : i32 to index
        %parallel_loop3A_369 = arith.constant 48 : index
        %parallel_loop3A_370 = tpu.vector_load %arg9[%parallel_loop3A_367, %parallel_loop3A_368, %parallel_loop3A_369] {strides = array<i32>} : memref<1x200x64xf32, #tpu.memory_space<vmem>>, vector<1x1x16xf32>,
        %parallel_loop3A_371 = vector.shape_cast %parallel_loop3A_370 : vector<1x1x16xf32> to vector<16xf32>
        %parallel_loop3A_372 = arith.constant 8.000000e+00 : f32
        %parallel_loop3A_373 = vector.broadcast %parallel_loop3A_372 : f32 to vector<16xf32>
        %parallel_loop3A_374 = arith.mulf %parallel_loop3A_371, %parallel_loop3A_373 : vector<16xf32>
        %parallel_loop3A_375 = arith.constant 0 : i32
        %parallel_loop3A_376 = arith.index_cast %parallel_loop3A_375 : i32 to index
        %parallel_loop3A_377 = arith.index_cast %parallel_loop3A_317 : i32 to index
        %parallel_loop3A_378 = arith.constant 48 : index
        %parallel_loop3A_379 = tpu.vector_load %arg13[%parallel_loop3A_376, %parallel_loop3A_377, %parallel_loop3A_378] {strides = array<i32>} : memref<1x200x64xf32, #tpu.memory_space<vmem>>, vector<1x1x16xf32>,
        %parallel_loop3A_380 = vector.shape_cast %parallel_loop3A_379 : vector<1x1x16xf32> to vector<16xf32>
        %parallel_loop3A_381 = vector.shape_cast %parallel_loop3A_374 : vector<16xf32> to vector<1x1x16xf32>
        tpu.vector_store %arg13[%parallel_loop3A_376, %parallel_loop3A_377, %parallel_loop3A_378], %parallel_loop3A_381 {strides = array<i32>} : memref<1x200x64xf32, #tpu.memory_space<vmem>>, vector<1x1x16xf32>,
      } {sc.loop_unroll_factor = 8 : i64, sc.parallel_access}
      %add3A_259 = arith.addi %mul3A_2, %add3A_228 : i32
      %dma_start3A_260 = arith.constant 0 : i32
      %dma_start3A_261 = arith.constant 0 : i32
      %dma_start3A_262 = tpu.memref_slice %arg4[%add3A_259, %dma_start3A_260, %dma_start3A_261] : memref<4096x200x64xf32, #tpu.memory_space<hbm>> -> memref<1x200x64xf32, #tpu.memory_space<hbm>>
      %dma_start3A_263 = arith.constant 0 : i32
      %dma_start3A_264 = arith.constant 0 : i32
      %dma_start3A_265 = tpu.memref_slice %arg4[%add3A_259, %dma_start3A_263, %dma_start3A_264] : memref<4096x200x64xf32, #tpu.memory_space<hbm>> -> memref<1x200x64xf32, #tpu.memory_space<hbm>>
      tpu.enqueue_dma source(%arg13 : memref<1x200x64xf32, #tpu.memory_space<vmem>>) target(%dma_start3A_265 : memref<1x200x64xf32, #tpu.memory_space<hbm>>) target_semaphore(%arg21 : memref<!tpu.dma_semaphore, #tpu.memory_space<semaphore_mem>>)
      %lt3A_266 = arith.constant 31 : i32
      %lt3A_267 = arith.cmpi slt, %add3A_137, %lt3A_266 : i32
      %convert_element_type3A_268 = arith.extui %lt3A_267 : i1 to i32
      %cond3A_269 = arith.constant 0 : i32
      %cond3A_270 = arith.cmpi ne, %convert_element_type3A_268, %cond3A_269 : i32
      scf.if %cond3A_270 {
        %add3A_317 = arith.constant 4 : i32
        %add3A_318 = arith.addi %add3A_228, %add3A_317 : i32
        %dma_start3A_319 = arith.constant 0 : i32
        %dma_start3A_320 = arith.constant 0 : i32
        %dma_start3A_321 = arith.constant 0 : i32
        %dma_start3A_322 = tpu.memref_slice %arg9[%dma_start3A_319, %dma_start3A_320, %dma_start3A_321] : memref<1x200x64xf32, #tpu.memory_space<vmem>> -> memref<1x128x64xf32, #tpu.memory_space<vmem>>
        %dma_start3A_323 = tpu.memref_squeeze %dma_start3A_322 : memref<1x128x64xf32, #tpu.memory_space<vmem>> -> memref<128x64xf32, #tpu.memory_space<vmem>>
        %dma_start3A_324 = arith.constant 0 : i32
        %dma_start3A_325 = tpu.memref_slice %arg5[%add3A_318, %dma_start3A_324] : memref<128x128xi32, #tpu.memory_space<vmem>> -> memref<1x128xi32, #tpu.memory_space<vmem>>
        %dma_start3A_326 = tpu.memref_squeeze %dma_start3A_325 : memref<1x128xi32, #tpu.memory_space<vmem>> -> memref<128xi32, #tpu.memory_space<vmem>>
        %dma_start3A_327 = arith.constant 0 : i32
        %dma_start3A_328 = arith.constant 0 : i32
        %dma_start3A_329 = tpu.memref_slice %arg3[%dma_start3A_327, %dma_start3A_328] : memref<1000000x64xf32, #tpu.memory_space<hbm>> -> memref<1000000x64xf32, #tpu.memory_space<hbm>>
        tpu.enqueue_indirect_dma source(%dma_start3A_329 : memref<1000000x64xf32, #tpu.memory_space<hbm>>) target(%dma_start3A_323 : memref<128x64xf32, #tpu.memory_space<vmem>>) offsets(%dma_start3A_326 : memref<128xi32, #tpu.memory_space<vmem>>) semaphore(%arg17 : memref<!tpu.dma_semaphore, #tpu.memory_space<semaphore_mem>>)
        %dma_start3A_330 = arith.constant 0 : i32
        %dma_start3A_331 = arith.constant 128 : i32
        %dma_start3A_332 = arith.constant 0 : i32
        %dma_start3A_333 = tpu.memref_slice %arg9[%dma_start3A_330, %dma_start3A_331, %dma_start3A_332] : memref<1x200x64xf32, #tpu.memory_space<vmem>> -> memref<1x72x64xf32, #tpu.memory_space<vmem>>
        %dma_start3A_334 = tpu.memref_squeeze %dma_start3A_333 : memref<1x72x64xf32, #tpu.memory_space<vmem>> -> memref<72x64xf32, #tpu.memory_space<vmem>>
        %dma_start3A_335 = arith.constant 0 : i32
        %dma_start3A_336 = tpu.memref_slice %arg6[%add3A_318, %dma_start3A_335] : memref<128x72xi32, #tpu.memory_space<vmem>> -> memref<1x72xi32, #tpu.memory_space<vmem>>
        %dma_start3A_337 = tpu.memref_squeeze %dma_start3A_336 : memref<1x72xi32, #tpu.memory_space<vmem>> -> memref<72xi32, #tpu.memory_space<vmem>>
        %dma_start3A_338 = arith.constant 0 : i32
        %dma_start3A_339 = arith.constant 0 : i32
        %dma_start3A_340 = tpu.memref_slice %arg3[%dma_start3A_338, %dma_start3A_339] : memref<1000000x64xf32, #tpu.memory_space<hbm>> -> memref<1000000x64xf32, #tpu.memory_space<hbm>>
        tpu.enqueue_indirect_dma source(%dma_start3A_340 : memref<1000000x64xf32, #tpu.memory_space<hbm>>) target(%dma_start3A_334 : memref<72x64xf32, #tpu.memory_space<vmem>>) offsets(%dma_start3A_337 : memref<72xi32, #tpu.memory_space<vmem>>) semaphore(%arg17 : memref<!tpu.dma_semaphore, #tpu.memory_space<semaphore_mem>>)
      } else {
      }
      %mul3A_271 = arith.constant 4 : i32
      %mul3A_272 = arith.muli %add3A_137, %mul3A_271 : i32
      %add3A_273 = arith.constant 3 : i32
      %add3A_274 = arith.addi %mul3A_272, %add3A_273 : i32
      %dma_wait3A_275 = arith.constant 0 : i32
      %dma_wait3A_276 = arith.constant 0 : i32
      %dma_wait3A_277 = arith.constant 0 : i32
      %dma_wait3A_278 = tpu.memref_slice %arg10[%dma_wait3A_275, %dma_wait3A_276, %dma_wait3A_277] : memref<1x200x64xf32, #tpu.memory_space<vmem>> -> memref<1x128x64xf32, #tpu.memory_space<vmem>>
      %dma_wait3A_279 = tpu.memref_squeeze %dma_wait3A_278 : memref<1x128x64xf32, #tpu.memory_space<vmem>> -> memref<128x64xf32, #tpu.memory_space<vmem>>
      %dma_wait3A_280 = arith.constant 0 : i32
      %dma_wait3A_281 = tpu.memref_slice %arg5[%add3A_274, %dma_wait3A_280] : memref<128x128xi32, #tpu.memory_space<vmem>> -> memref<1x128xi32, #tpu.memory_space<vmem>>
      %dma_wait3A_282 = tpu.memref_squeeze %dma_wait3A_281 : memref<1x128xi32, #tpu.memory_space<vmem>> -> memref<128xi32, #tpu.memory_space<vmem>>
      %dma_wait3A_283 = arith.constant 0 : i32
      %dma_wait3A_284 = arith.constant 0 : i32
      %dma_wait3A_285 = tpu.memref_slice %arg3[%dma_wait3A_283, %dma_wait3A_284] : memref<1000000x64xf32, #tpu.memory_space<hbm>> -> memref<1000000x64xf32, #tpu.memory_space<hbm>>
      tpu.wait_indirect_dma semaphore(%arg18 : memref<!tpu.dma_semaphore, #tpu.memory_space<semaphore_mem>>) src(%dma_wait3A_285 : memref<1000000x64xf32, #tpu.memory_space<hbm>>) dst(%dma_wait3A_279 : memref<128x64xf32, #tpu.memory_space<vmem>>)
      %dma_wait3A_286 = arith.constant 0 : i32
      %dma_wait3A_287 = arith.constant 128 : i32
      %dma_wait3A_288 = arith.constant 0 : i32
      %dma_wait3A_289 = tpu.memref_slice %arg10[%dma_wait3A_286, %dma_wait3A_287, %dma_wait3A_288] : memref<1x200x64xf32, #tpu.memory_space<vmem>> -> memref<1x72x64xf32, #tpu.memory_space<vmem>>
      %dma_wait3A_290 = tpu.memref_squeeze %dma_wait3A_289 : memref<1x72x64xf32, #tpu.memory_space<vmem>> -> memref<72x64xf32, #tpu.memory_space<vmem>>
      %dma_wait3A_291 = arith.constant 0 : i32
      %dma_wait3A_292 = tpu.memref_slice %arg6[%add3A_274, %dma_wait3A_291] : memref<128x72xi32, #tpu.memory_space<vmem>> -> memref<1x72xi32, #tpu.memory_space<vmem>>
      %dma_wait3A_293 = tpu.memref_squeeze %dma_wait3A_292 : memref<1x72xi32, #tpu.memory_space<vmem>> -> memref<72xi32, #tpu.memory_space<vmem>>
      %dma_wait3A_294 = arith.constant 0 : i32
      %dma_wait3A_295 = arith.constant 0 : i32
      %dma_wait3A_296 = tpu.memref_slice %arg3[%dma_wait3A_294, %dma_wait3A_295] : memref<1000000x64xf32, #tpu.memory_space<hbm>> -> memref<1000000x64xf32, #tpu.memory_space<hbm>>
      tpu.wait_indirect_dma semaphore(%arg18 : memref<!tpu.dma_semaphore, #tpu.memory_space<semaphore_mem>>) src(%dma_wait3A_296 : memref<1000000x64xf32, #tpu.memory_space<hbm>>) dst(%dma_wait3A_290 : memref<72x64xf32, #tpu.memory_space<vmem>>)
      %gt3A_297 = arith.constant 0 : i32
      %gt3A_298 = arith.cmpi sgt, %add3A_137, %gt3A_297 : i32
      %convert_element_type3A_299 = arith.extui %gt3A_298 : i1 to i32
      %cond3A_300 = arith.constant 0 : i32
      %cond3A_301 = arith.cmpi ne, %convert_element_type3A_299, %cond3A_300 : i32
      scf.if %cond3A_301 {
        %add3A_317 = arith.addi %mul3A_2, %add3A_274 : i32
        %dma_wait3A_318 = arith.constant 0 : i32
        %dma_wait3A_319 = arith.constant 0 : i32
        %dma_wait3A_320 = tpu.memref_slice %arg4[%add3A_317, %dma_wait3A_318, %dma_wait3A_319] : memref<4096x200x64xf32, #tpu.memory_space<hbm>> -> memref<1x200x64xf32, #tpu.memory_space<hbm>>
        %dma_wait3A_321 = arith.constant 0 : i32
        %dma_wait3A_322 = arith.constant 0 : i32
        %dma_wait3A_323 = tpu.memref_slice %arg4[%add3A_317, %dma_wait3A_321, %dma_wait3A_322] : memref<4096x200x64xf32, #tpu.memory_space<hbm>> -> memref<1x200x64xf32, #tpu.memory_space<hbm>>
        tpu.wait_dma2 semaphore(%arg22 : memref<!tpu.dma_semaphore, #tpu.memory_space<semaphore_mem>>) src(%arg14 : memref<1x200x64xf32, #tpu.memory_space<vmem>>) dst(%dma_wait3A_323 : memref<1x200x64xf32, #tpu.memory_space<hbm>>)
      } else {
      }
      %parallel_loop3A_302 = arith.constant 0 : i32
      %parallel_loop3A_303 = arith.constant 200 : i32
      %parallel_loop3A_304 = arith.constant 1 : i32
      scf.for %parallel_loop3A_317 = %parallel_loop3A_302 to %parallel_loop3A_303 step %parallel_loop3A_304  : i32 {
        %parallel_loop3A_318 = arith.constant 0 : i32
        %parallel_loop3A_319 = arith.index_cast %parallel_loop3A_318 : i32 to index
        %parallel_loop3A_320 = arith.index_cast %parallel_loop3A_317 : i32 to index
        %parallel_loop3A_321 = arith.constant 0 : index
        %parallel_loop3A_322 = tpu.vector_load %arg10[%parallel_loop3A_319, %parallel_loop3A_320, %parallel_loop3A_321] {strides = array<i32>} : memref<1x200x64xf32, #tpu.memory_space<vmem>>, vector<1x1x16xf32>,
        %parallel_loop3A_323 = vector.shape_cast %parallel_loop3A_322 : vector<1x1x16xf32> to vector<16xf32>
        %parallel_loop3A_324 = arith.constant 8.000000e+00 : f32
        %parallel_loop3A_325 = vector.broadcast %parallel_loop3A_324 : f32 to vector<16xf32>
        %parallel_loop3A_326 = arith.mulf %parallel_loop3A_323, %parallel_loop3A_325 : vector<16xf32>
        %parallel_loop3A_327 = arith.constant 0 : i32
        %parallel_loop3A_328 = arith.index_cast %parallel_loop3A_327 : i32 to index
        %parallel_loop3A_329 = arith.index_cast %parallel_loop3A_317 : i32 to index
        %parallel_loop3A_330 = arith.constant 0 : index
        %parallel_loop3A_331 = tpu.vector_load %arg14[%parallel_loop3A_328, %parallel_loop3A_329, %parallel_loop3A_330] {strides = array<i32>} : memref<1x200x64xf32, #tpu.memory_space<vmem>>, vector<1x1x16xf32>,
        %parallel_loop3A_332 = vector.shape_cast %parallel_loop3A_331 : vector<1x1x16xf32> to vector<16xf32>
        %parallel_loop3A_333 = vector.shape_cast %parallel_loop3A_326 : vector<16xf32> to vector<1x1x16xf32>
        tpu.vector_store %arg14[%parallel_loop3A_328, %parallel_loop3A_329, %parallel_loop3A_330], %parallel_loop3A_333 {strides = array<i32>} : memref<1x200x64xf32, #tpu.memory_space<vmem>>, vector<1x1x16xf32>,
        %parallel_loop3A_334 = arith.constant 0 : i32
        %parallel_loop3A_335 = arith.index_cast %parallel_loop3A_334 : i32 to index
        %parallel_loop3A_336 = arith.index_cast %parallel_loop3A_317 : i32 to index
        %parallel_loop3A_337 = arith.constant 16 : index
        %parallel_loop3A_338 = tpu.vector_load %arg10[%parallel_loop3A_335, %parallel_loop3A_336, %parallel_loop3A_337] {strides = array<i32>} : memref<1x200x64xf32, #tpu.memory_space<vmem>>, vector<1x1x16xf32>,
        %parallel_loop3A_339 = vector.shape_cast %parallel_loop3A_338 : vector<1x1x16xf32> to vector<16xf32>
        %parallel_loop3A_340 = arith.constant 8.000000e+00 : f32
        %parallel_loop3A_341 = vector.broadcast %parallel_loop3A_340 : f32 to vector<16xf32>
        %parallel_loop3A_342 = arith.mulf %parallel_loop3A_339, %parallel_loop3A_341 : vector<16xf32>
        %parallel_loop3A_343 = arith.constant 0 : i32
        %parallel_loop3A_344 = arith.index_cast %parallel_loop3A_343 : i32 to index
        %parallel_loop3A_345 = arith.index_cast %parallel_loop3A_317 : i32 to index
        %parallel_loop3A_346 = arith.constant 16 : index
        %parallel_loop3A_347 = tpu.vector_load %arg14[%parallel_loop3A_344, %parallel_loop3A_345, %parallel_loop3A_346] {strides = array<i32>} : memref<1x200x64xf32, #tpu.memory_space<vmem>>, vector<1x1x16xf32>,
        %parallel_loop3A_348 = vector.shape_cast %parallel_loop3A_347 : vector<1x1x16xf32> to vector<16xf32>
        %parallel_loop3A_349 = vector.shape_cast %parallel_loop3A_342 : vector<16xf32> to vector<1x1x16xf32>
        tpu.vector_store %arg14[%parallel_loop3A_344, %parallel_loop3A_345, %parallel_loop3A_346], %parallel_loop3A_349 {strides = array<i32>} : memref<1x200x64xf32, #tpu.memory_space<vmem>>, vector<1x1x16xf32>,
        %parallel_loop3A_350 = arith.constant 0 : i32
        %parallel_loop3A_351 = arith.index_cast %parallel_loop3A_350 : i32 to index
        %parallel_loop3A_352 = arith.index_cast %parallel_loop3A_317 : i32 to index
        %parallel_loop3A_353 = arith.constant 32 : index
        %parallel_loop3A_354 = tpu.vector_load %arg10[%parallel_loop3A_351, %parallel_loop3A_352, %parallel_loop3A_353] {strides = array<i32>} : memref<1x200x64xf32, #tpu.memory_space<vmem>>, vector<1x1x16xf32>,
        %parallel_loop3A_355 = vector.shape_cast %parallel_loop3A_354 : vector<1x1x16xf32> to vector<16xf32>
        %parallel_loop3A_356 = arith.constant 8.000000e+00 : f32
        %parallel_loop3A_357 = vector.broadcast %parallel_loop3A_356 : f32 to vector<16xf32>
        %parallel_loop3A_358 = arith.mulf %parallel_loop3A_355, %parallel_loop3A_357 : vector<16xf32>
        %parallel_loop3A_359 = arith.constant 0 : i32
        %parallel_loop3A_360 = arith.index_cast %parallel_loop3A_359 : i32 to index
        %parallel_loop3A_361 = arith.index_cast %parallel_loop3A_317 : i32 to index
        %parallel_loop3A_362 = arith.constant 32 : index
        %parallel_loop3A_363 = tpu.vector_load %arg14[%parallel_loop3A_360, %parallel_loop3A_361, %parallel_loop3A_362] {strides = array<i32>} : memref<1x200x64xf32, #tpu.memory_space<vmem>>, vector<1x1x16xf32>,
        %parallel_loop3A_364 = vector.shape_cast %parallel_loop3A_363 : vector<1x1x16xf32> to vector<16xf32>
        %parallel_loop3A_365 = vector.shape_cast %parallel_loop3A_358 : vector<16xf32> to vector<1x1x16xf32>
        tpu.vector_store %arg14[%parallel_loop3A_360, %parallel_loop3A_361, %parallel_loop3A_362], %parallel_loop3A_365 {strides = array<i32>} : memref<1x200x64xf32, #tpu.memory_space<vmem>>, vector<1x1x16xf32>,
        %parallel_loop3A_366 = arith.constant 0 : i32
        %parallel_loop3A_367 = arith.index_cast %parallel_loop3A_366 : i32 to index
        %parallel_loop3A_368 = arith.index_cast %parallel_loop3A_317 : i32 to index
        %parallel_loop3A_369 = arith.constant 48 : index
        %parallel_loop3A_370 = tpu.vector_load %arg10[%parallel_loop3A_367, %parallel_loop3A_368, %parallel_loop3A_369] {strides = array<i32>} : memref<1x200x64xf32, #tpu.memory_space<vmem>>, vector<1x1x16xf32>,
        %parallel_loop3A_371 = vector.shape_cast %parallel_loop3A_370 : vector<1x1x16xf32> to vector<16xf32>
        %parallel_loop3A_372 = arith.constant 8.000000e+00 : f32
        %parallel_loop3A_373 = vector.broadcast %parallel_loop3A_372 : f32 to vector<16xf32>
        %parallel_loop3A_374 = arith.mulf %parallel_loop3A_371, %parallel_loop3A_373 : vector<16xf32>
        %parallel_loop3A_375 = arith.constant 0 : i32
        %parallel_loop3A_376 = arith.index_cast %parallel_loop3A_375 : i32 to index
        %parallel_loop3A_377 = arith.index_cast %parallel_loop3A_317 : i32 to index
        %parallel_loop3A_378 = arith.constant 48 : index
        %parallel_loop3A_379 = tpu.vector_load %arg14[%parallel_loop3A_376, %parallel_loop3A_377, %parallel_loop3A_378] {strides = array<i32>} : memref<1x200x64xf32, #tpu.memory_space<vmem>>, vector<1x1x16xf32>,
        %parallel_loop3A_380 = vector.shape_cast %parallel_loop3A_379 : vector<1x1x16xf32> to vector<16xf32>
        %parallel_loop3A_381 = vector.shape_cast %parallel_loop3A_374 : vector<16xf32> to vector<1x1x16xf32>
        tpu.vector_store %arg14[%parallel_loop3A_376, %parallel_loop3A_377, %parallel_loop3A_378], %parallel_loop3A_381 {strides = array<i32>} : memref<1x200x64xf32, #tpu.memory_space<vmem>>, vector<1x1x16xf32>,
      } {sc.loop_unroll_factor = 8 : i64, sc.parallel_access}
      %add3A_305 = arith.addi %mul3A_2, %add3A_274 : i32
      %dma_start3A_306 = arith.constant 0 : i32
      %dma_start3A_307 = arith.constant 0 : i32
      %dma_start3A_308 = tpu.memref_slice %arg4[%add3A_305, %dma_start3A_306, %dma_start3A_307] : memref<4096x200x64xf32, #tpu.memory_space<hbm>> -> memref<1x200x64xf32, #tpu.memory_space<hbm>>
      %dma_start3A_309 = arith.constant 0 : i32
      %dma_start3A_310 = arith.constant 0 : i32
      %dma_start3A_311 = tpu.memref_slice %arg4[%add3A_305, %dma_start3A_309, %dma_start3A_310] : memref<4096x200x64xf32, #tpu.memory_space<hbm>> -> memref<1x200x64xf32, #tpu.memory_space<hbm>>
      tpu.enqueue_dma source(%arg14 : memref<1x200x64xf32, #tpu.memory_space<vmem>>) target(%dma_start3A_311 : memref<1x200x64xf32, #tpu.memory_space<hbm>>) target_semaphore(%arg22 : memref<!tpu.dma_semaphore, #tpu.memory_space<semaphore_mem>>)
      %lt3A_312 = arith.constant 31 : i32
      %lt3A_313 = arith.cmpi slt, %add3A_137, %lt3A_312 : i32
      %convert_element_type3A_314 = arith.extui %lt3A_313 : i1 to i32
      %cond3A_315 = arith.constant 0 : i32
      %cond3A_316 = arith.cmpi ne, %convert_element_type3A_314, %cond3A_315 : i32
      scf.if %cond3A_316 {
        %add3A_317 = arith.constant 4 : i32
        %add3A_318 = arith.addi %add3A_274, %add3A_317 : i32
        %dma_start3A_319 = arith.constant 0 : i32
        %dma_start3A_320 = arith.constant 0 : i32
        %dma_start3A_321 = arith.constant 0 : i32
        %dma_start3A_322 = tpu.memref_slice %arg10[%dma_start3A_319, %dma_start3A_320, %dma_start3A_321] : memref<1x200x64xf32, #tpu.memory_space<vmem>> -> memref<1x128x64xf32, #tpu.memory_space<vmem>>
        %dma_start3A_323 = tpu.memref_squeeze %dma_start3A_322 : memref<1x128x64xf32, #tpu.memory_space<vmem>> -> memref<128x64xf32, #tpu.memory_space<vmem>>
        %dma_start3A_324 = arith.constant 0 : i32
        %dma_start3A_325 = tpu.memref_slice %arg5[%add3A_318, %dma_start3A_324] : memref<128x128xi32, #tpu.memory_space<vmem>> -> memref<1x128xi32, #tpu.memory_space<vmem>>
        %dma_start3A_326 = tpu.memref_squeeze %dma_start3A_325 : memref<1x128xi32, #tpu.memory_space<vmem>> -> memref<128xi32, #tpu.memory_space<vmem>>
        %dma_start3A_327 = arith.constant 0 : i32
        %dma_start3A_328 = arith.constant 0 : i32
        %dma_start3A_329 = tpu.memref_slice %arg3[%dma_start3A_327, %dma_start3A_328] : memref<1000000x64xf32, #tpu.memory_space<hbm>> -> memref<1000000x64xf32, #tpu.memory_space<hbm>>
        tpu.enqueue_indirect_dma source(%dma_start3A_329 : memref<1000000x64xf32, #tpu.memory_space<hbm>>) target(%dma_start3A_323 : memref<128x64xf32, #tpu.memory_space<vmem>>) offsets(%dma_start3A_326 : memref<128xi32, #tpu.memory_space<vmem>>) semaphore(%arg18 : memref<!tpu.dma_semaphore, #tpu.memory_space<semaphore_mem>>)
        %dma_start3A_330 = arith.constant 0 : i32
        %dma_start3A_331 = arith.constant 128 : i32
        %dma_start3A_332 = arith.constant 0 : i32
        %dma_start3A_333 = tpu.memref_slice %arg10[%dma_start3A_330, %dma_start3A_331, %dma_start3A_332] : memref<1x200x64xf32, #tpu.memory_space<vmem>> -> memref<1x72x64xf32, #tpu.memory_space<vmem>>
        %dma_start3A_334 = tpu.memref_squeeze %dma_start3A_333 : memref<1x72x64xf32, #tpu.memory_space<vmem>> -> memref<72x64xf32, #tpu.memory_space<vmem>>
        %dma_start3A_335 = arith.constant 0 : i32
        %dma_start3A_336 = tpu.memref_slice %arg6[%add3A_318, %dma_start3A_335] : memref<128x72xi32, #tpu.memory_space<vmem>> -> memref<1x72xi32, #tpu.memory_space<vmem>>
        %dma_start3A_337 = tpu.memref_squeeze %dma_start3A_336 : memref<1x72xi32, #tpu.memory_space<vmem>> -> memref<72xi32, #tpu.memory_space<vmem>>
        %dma_start3A_338 = arith.constant 0 : i32
        %dma_start3A_339 = arith.constant 0 : i32
        %dma_start3A_340 = tpu.memref_slice %arg3[%dma_start3A_338, %dma_start3A_339] : memref<1000000x64xf32, #tpu.memory_space<hbm>> -> memref<1000000x64xf32, #tpu.memory_space<hbm>>
        tpu.enqueue_indirect_dma source(%dma_start3A_340 : memref<1000000x64xf32, #tpu.memory_space<hbm>>) target(%dma_start3A_334 : memref<72x64xf32, #tpu.memory_space<vmem>>) offsets(%dma_start3A_337 : memref<72xi32, #tpu.memory_space<vmem>>) semaphore(%arg18 : memref<!tpu.dma_semaphore, #tpu.memory_space<semaphore_mem>>)
      } else {
      }
    }
    %scan3A_101 = arith.constant 32 : i32
    %add3A_102 = arith.constant 0 : i32
    %add3A_103 = arith.addi %mul3A_2, %add3A_102 : i32
    %dma_wait3A = arith.constant 0 : i32
    %dma_wait3A_104 = arith.constant 0 : i32
    %dma_wait3A_105 = tpu.memref_slice %arg4[%add3A_103, %dma_wait3A, %dma_wait3A_104] : memref<4096x200x64xf32, #tpu.memory_space<hbm>> -> memref<1x200x64xf32, #tpu.memory_space<hbm>>
    %dma_wait3A_106 = arith.constant 0 : i32
    %dma_wait3A_107 = arith.constant 0 : i32
    %dma_wait3A_108 = tpu.memref_slice %arg4[%add3A_103, %dma_wait3A_106, %dma_wait3A_107] : memref<4096x200x64xf32, #tpu.memory_space<hbm>> -> memref<1x200x64xf32, #tpu.memory_space<hbm>>
    tpu.wait_dma2 semaphore(%arg19 : memref<!tpu.dma_semaphore, #tpu.memory_space<semaphore_mem>>) src(%arg11 : memref<1x200x64xf32, #tpu.memory_space<vmem>>) dst(%dma_wait3A_108 : memref<1x200x64xf32, #tpu.memory_space<hbm>>)
    %add3A_109 = arith.constant 0 : i32
    %add3A_110 = arith.addi %mul3A_2, %add3A_109 : i32
    %dma_wait3A_111 = arith.constant 0 : i32
    %dma_wait3A_112 = arith.constant 0 : i32
    %dma_wait3A_113 = tpu.memref_slice %arg4[%add3A_110, %dma_wait3A_111, %dma_wait3A_112] : memref<4096x200x64xf32, #tpu.memory_space<hbm>> -> memref<1x200x64xf32, #tpu.memory_space<hbm>>
    %dma_wait3A_114 = arith.constant 0 : i32
    %dma_wait3A_115 = arith.constant 0 : i32
    %dma_wait3A_116 = tpu.memref_slice %arg4[%add3A_110, %dma_wait3A_114, %dma_wait3A_115] : memref<4096x200x64xf32, #tpu.memory_space<hbm>> -> memref<1x200x64xf32, #tpu.memory_space<hbm>>
    tpu.wait_dma2 semaphore(%arg20 : memref<!tpu.dma_semaphore, #tpu.memory_space<semaphore_mem>>) src(%arg12 : memref<1x200x64xf32, #tpu.memory_space<vmem>>) dst(%dma_wait3A_116 : memref<1x200x64xf32, #tpu.memory_space<hbm>>)
    %add3A_117 = arith.constant 0 : i32
    %add3A_118 = arith.addi %mul3A_2, %add3A_117 : i32
    %dma_wait3A_119 = arith.constant 0 : i32
    %dma_wait3A_120 = arith.constant 0 : i32
    %dma_wait3A_121 = tpu.memref_slice %arg4[%add3A_118, %dma_wait3A_119, %dma_wait3A_120] : memref<4096x200x64xf32, #tpu.memory_space<hbm>> -> memref<1x200x64xf32, #tpu.memory_space<hbm>>
    %dma_wait3A_122 = arith.constant 0 : i32
    %dma_wait3A_123 = arith.constant 0 : i32
    %dma_wait3A_124 = tpu.memref_slice %arg4[%add3A_118, %dma_wait3A_122, %dma_wait3A_123] : memref<4096x200x64xf32, #tpu.memory_space<hbm>> -> memref<1x200x64xf32, #tpu.memory_space<hbm>>
    tpu.wait_dma2 semaphore(%arg21 : memref<!tpu.dma_semaphore, #tpu.memory_space<semaphore_mem>>) src(%arg13 : memref<1x200x64xf32, #tpu.memory_space<vmem>>) dst(%dma_wait3A_124 : memref<1x200x64xf32, #tpu.memory_space<hbm>>)
    %add3A_125 = arith.constant 0 : i32
    %add3A_126 = arith.addi %mul3A_2, %add3A_125 : i32
    %dma_wait3A_127 = arith.constant 0 : i32
    %dma_wait3A_128 = arith.constant 0 : i32
    %dma_wait3A_129 = tpu.memref_slice %arg4[%add3A_126, %dma_wait3A_127, %dma_wait3A_128] : memref<4096x200x64xf32, #tpu.memory_space<hbm>> -> memref<1x200x64xf32, #tpu.memory_space<hbm>>
    %dma_wait3A_130 = arith.constant 0 : i32
    %dma_wait3A_131 = arith.constant 0 : i32
    %dma_wait3A_132 = tpu.memref_slice %arg4[%add3A_126, %dma_wait3A_130, %dma_wait3A_131] : memref<4096x200x64xf32, #tpu.memory_space<hbm>> -> memref<1x200x64xf32, #tpu.memory_space<hbm>>
    tpu.wait_dma2 semaphore(%arg22 : memref<!tpu.dma_semaphore, #tpu.memory_space<semaphore_mem>>) src(%arg14 : memref<1x200x64xf32, #tpu.memory_space<vmem>>) dst(%dma_wait3A_132 : memref<1x200x64xf32, #tpu.memory_space<hbm>>)
    return
  }
}

</mosaic_0001>

<sc_bundles>
// kernel: kernel.3.cloned.1.call-start
scs
__scs_entry_jumppad:
0x0: {  	(pc) =	sbr.rel $0x88, $3  }
0x1: {  	(tag) =	ssettag $0x0;
	lr =	simm.s32 $0x1  }
0x2: {  	[smem:$0x3F9F] =	sst lr;
	_ =	strace $0xD0000000  }
0x3: {  	_ = 	snop  }
0x4: {  	_ = 	snop  }
0x5: {  	_ = 	snop  }
0x6: {  	_ = 	snop  }
0x7: {  	_ = 	snop  }
__scs_overlays_trampoline_lowered:
0x8: {  	[smem:$0x3FAE] =	sst s0  }
0x9: {  	[smem:$0x3FAF] =	sst s1  }
0xa: {  	[smem:$0x3FB0] =	sst s2  }
0xb: {  	[smem:$0x3FB1] =	sst s3  }
0xc: {  	[smem:$0x3FB2] =	sst s4  }
0xd: {  	[smem:$0x3FB3] =	sst s5  }
0xe: {  	[smem:$0x3FB4] =	sst s6  }
0xf: {  	[smem:$0x3FB5] =	sst s7  }
0x10: {  	[smem:$0x3FB6] =	sst s8  }
0x11: {  	[smem:$0x3FB7] =	sst s9;
	s0 =	simm.s32 @!p0 $0x0  }
0x12: {  	s1 =	sld [smem:$0x3F9D];
	s0 =	simm.s32 @p0 $0x1  }
0x13: {  	[smem:$0x3FB8] =	sst s0;
	s0 =	simm.s32 @!p1 $0x0  }
0x14: {  	s2 =	sld [smem:$0x3F9C];
	s0 =	simm.s32 @p1 $0x1  }
0x15: {  	[smem:$0x3FB9] =	sst s0;
	s0 =	simm.s32 @!p2 $0x0  }
0x16: {  	s3 =	sld [smem:$0x3FDB];
	s0 =	simm.s32 @p2 $0x1  }
0x17: {  	s4 =	simm.s32 $0x1BF5;
	[smem:$0x3FBB] =	sst s0  }
0x18: {  	s0 =	sld [smem:$0x3F9E];
	_ =	swait.ge [sflag:s4], $0x0  }
0x19: {  	s7 =	sld [smem:$0x3F9F]  }
0x1a: {  	s8 =	sadd.s32 $0xFFFFE003, lr  }
0x1b: {  	s9 =	sadd.s32 $0xFFFFFEF7, lr;
	s5 =	simm.s32 $0xFFFFFFFF;
	p2 =	slt.u32 s8, $0xFFFFF086  }
0x1c: {  	p1 =	slt.u32 s9, $0xF7A;
	s5 =	simm.s32 @!p2 $0x0  }
0x1d: {  	s5 =	simm.s32 @p1 $0x1;
	p0 =	seq.s32 s7, s2  }
0x1e: {  	s7 =	smul.u32 @!p0 $0xF7A, s2;
	p2 =	seq.s32 @!p0 s5, $0x0  }
0x1f: {  	s9 =	smul.u32 $0xF7A, s1;
	s8 =	simm.s32 @!p0 $0x1BF5;
	p2 =	por !p2, p0  }
0x20: {  	[sflag:s8] =	ssyncset.s32 @!p0 $0xFFFFF086;
	s6 =	sadd.s32 @!p0 s3, s7;
	s7 =	simm.s32 @!p0 $0x108  }
0x21: {  	s3 =	sadd.s32 s3, s9;
	s6 =	sadd.s32 @!p0 $0x88, s6;
	s7 =	simm.s32 @p2 $0x1082  }
0x22: {  	[simem:s7], [sflag:s8] =	dma.local @!p0 [hbm:s6], $0xF7A  }
0x23: {  	s9 =	sor.u32 $0xD0000000, s2;
	s6 =	simm.s32 $0x108;
	_ =	swait.ge @!p0 [sflag:s8], $0x0  }
0x24: {  	s3 =	sadd.s32 $0x88, s3;
	s6 =	simm.s32 @!p1 $0x1082;
	[sflag:s4] =	ssyncset.s32 $0xFFFFF086  }
0x25: {  	[simem:s6], [sflag:s4] =	dma.local [hbm:s3], $0xF7A  }
0x26: {  	[smem:$0x3F9F] =	sst s1;
	(tag) =	ssettag s2;
	_ =	strace s9  }
0x27: {  	s1 =	sld [smem:$0x3FAF]  }
0x28: {  	s2 =	sld [smem:$0x3FB0]  }
0x29: {  	s4 =	sld [smem:$0x3FB2]  }
0x2a: {  	p0 =	seq.s32 s5, $0x0;
	s5 =	sld [smem:$0x3FB3]  }
0x2b: {  	s6 =	sld [smem:$0x3FB4]  }
0x2c: {  	s7 =	sld [smem:$0x3FB5]  }
0x2d: {  	s3 =	simm.s32 $0x108;
	s8 =	sld [smem:$0x3FB6]  }
0x2e: {  	s3 =	simm.s32 @!p0 $0x1082;
	s9 =	sld [smem:$0x3FB7]  }
0x2f: {  	lr =	sadd.s32 s0, s3;
	s0 =	sld [smem:$0x3FAE]  }
0x30: {  	s3 =	sld [smem:$0x3FB1]  }
0x31: {  	[smem:$0x3FBA] =	sst s10  }
0x32: {  	s10 =	sld [smem:$0x3FB8];
	_ =	sdelay $0x3  }
0x33: {  	p0 =	seq.s32 s10, $0x1;
	s10 =	sld [smem:$0x3FBA];
	_ =	sdelay $0x3  }
0x34: {  	[smem:$0x3FBA] =	sst s10  }
0x35: {  	s10 =	sld [smem:$0x3FB9];
	_ =	sdelay $0x3  }
0x36: {  	p1 =	seq.s32 s10, $0x1;
	s10 =	sld [smem:$0x3FBA];
	_ =	sdelay $0x3  }
0x37: {  	[smem:$0x3FBA] =	sst s10  }
0x38: {  	s10 =	sld [smem:$0x3FBB]  }
0x39: {  	_ = 	snop;
	(pc) =	sbr.ind lr, $3  }
0x3a: {  	_ = 	snop  }
0x3b: {  	_ = 	snop  }
0x3c: {  	p2 =	seq.s32 s10, $0x1;
	s10 =	sld [smem:$0x3FBA]  }
0x3d: {  	_ =	shalt  }
0x3e: {  	_ =	shalt  }
0x3f: {  	_ =	shalt  }
0x40: {  	_ =	shalt  }
0x41: {  	_ =	shalt  }
0x42: {  	_ =	shalt  }
0x43: {  	_ =	shalt  }
0x44: {  	_ =	shalt  }
0x45: {  	_ =	shalt  }
0x46: {  	_ =	shalt  }
0x47: {  	_ =	shalt  }
0x48: {  	_ =	shalt  }
0x49: {  	_ =	shalt  }
0x4a: {  	_ =	shalt  }
0x4b: {  	_ =	shalt  }
0x4c: {  	_ =	shalt  }
0x4d: {  	_ =	shalt  }
0x4e: {  	_ =	shalt  }
0x4f: {  	_ =	shalt  }
0x50: {  	_ =	shalt  }
0x51: {  	_ =	shalt  }
0x52: {  	_ =	shalt  }
0x53: {  	_ =	shalt  }
0x54: {  	_ =	shalt  }
0x55: {  	_ =	shalt  }
0x56: {  	_ =	shalt  }
0x57: {  	_ =	shalt  }
0x58: {  	_ =	shalt  }
0x59: {  	_ =	shalt  }
0x5a: {  	_ =	shalt  }
0x5b: {  	_ =	shalt  }
0x5c: {  	_ =	shalt  }
0x5d: {  	_ =	shalt  }
0x5e: {  	_ =	shalt  }
0x5f: {  	_ =	shalt  }
0x60: {  	_ =	shalt  }
0x61: {  	_ =	shalt  }
0x62: {  	_ =	shalt  }
0x63: {  	_ =	shalt  }
0x64: {  	_ =	shalt  }
0x65: {  	_ =	shalt  }
0x66: {  	_ =	shalt  }
0x67: {  	_ =	shalt  }
0x68: {  	_ =	shalt  }
0x69: {  	_ =	shalt  }
0x6a: {  	_ =	shalt  }
0x6b: {  	_ =	shalt  }
0x6c: {  	_ =	shalt  }
0x6d: {  	_ =	shalt  }
0x6e: {  	_ =	shalt  }
0x6f: {  	_ =	shalt  }
0x70: {  	_ =	shalt  }
0x71: {  	_ =	shalt  }
0x72: {  	_ =	shalt  }
0x73: {  	_ =	shalt  }
0x74: {  	_ =	shalt  }
0x75: {  	_ =	shalt  }
0x76: {  	_ =	shalt  }
0x77: {  	_ =	shalt  }
0x78: {  	_ =	shalt  }
0x79: {  	_ =	shalt  }
0x7a: {  	_ =	shalt  }
0x7b: {  	_ =	shalt  }
0x7c: {  	_ =	shalt  }
0x7d: {  	_ =	shalt  }
0x7e: {  	_ =	shalt  }
0x7f: {  	_ =	shalt  }
0x80: {  	_ =	shalt  }
0x81: {  	_ =	shalt  }
0x82: {  	_ =	shalt  }
0x83: {  	_ =	shalt  }
0x84: {  	_ =	shalt  }
0x85: {  	_ =	shalt  }
0x86: {  	_ =	shalt  }
0x87: {  	_ =	shalt  }
.Lfunc_end0:
.L_simem_size_0:
called_computation.1_lowered:
.L_overlay_start_0:
0x88: {  	s2 =	sld [smem:$0x3FD9]  }
0x89: {  	s3 =	sld [smem:$0x3FFE];
	_ =	sdelay $0x1  }
0x8a: {  	s1 =	srdreg.scid  }
0x8b: {  	s0 =	sand.u32 $0x1, s1  }
0x8c: {  	s17 =	sshll.u32 s0, $0xA;
	s2 =	sadd.s32 s3, s2  }
0x8d: {  	s2 =	sadd.s32 s2, s17  }
0x8e: {  	[smem:$0x3FC6] =	sst s2  }
0x8f: {  	_ = 	snop  }
0x90: {  	s2 =	sld [smem:$0x3FD0];
	(tm) =	ssettm $0x1  }
0x91: {  	s18 =	sld [smem:$0x3FFB];
	_ =	sdelay $0x3  }
0x92: {  	_ =	strace s18  }
0x93: {  	s3 =	sld [smem:$0x3FFC];
	_ =	sdelay $0x3  }
0x94: {  	_ =	strace s3  }
0x95: {  	s3 =	sld [smem:$0x3FFD];
	_ =	sdelay $0x3  }
0x96: {  	_ =	strace s3  }
0x97: {  	_ =	strace $0x8FFFFFFF  }
0x98: {  	s19 =	sld [smem:$0x3FDB];
	_ =	sdelay $0x1  }
0x99: {  	s4 =	simm.s32 $_scs_section_size  }
0x9a: {  	s5 =	simm.s32 $_size__tile_overlayer_lowered;
	s6 =	simm.s32 $_tile_overlayer_lowered  }
0x9b: {  	s22 =	simm.s32 $0x1BFF;
	s21 =	sshll.u32 s6, $0x1;
	s3 =	sadd.s32 s4, s19  }
0x9c: {  	s7 =	simm.s32 $0x0;
	s20 =	sshll.u32 s5, $0x1;
	s5 =	sadd.s32 s21, s3  }
0x9d: {  	[timem:s7], [sflag:s22] =	dma.local [hbm:s5], s20  }
0x9e: {  	_ =	swait.ge [sflag:s22], s20  }
0x9f: {  	s4 =	ssub.s32 $0x0, s20;
	[sflag:s22] =	ssyncset.done $0x0  }
0xa0: {  	[sflag:s22] =	ssyncadd.s32 s4;
	_ =	sdelay $0x1  }
0xa1: {  	s23 =	simm.s32 $0x1B8B  }
0xa2: {  	_ =	swait.ge [sflag:s23], $0x1  }
0xa3: {  	[sflag:s23] =	ssyncset.done $0x0  }
0xa4: {  	s25 =	simm.s32 $0x1B8E;
	s24 =	sld [smem:$0x3FFE];
	[sflag:s23] =	ssyncadd.s32 $0xFFFFFFFF  }
0xa5: {  	s26 =	simm.s32 $execute0_lowered;
	[smem:$0x3FD2] =	sst s25  }
0xa6: {  	s5 =	sshll.u32 s26, $0x1;
	_ =	strace $0x80000046;
	[dreg:$0x1] =	wrdreg $0xFFFFFFFF  }
0xa7: {  	s28 =	simm.s32 $_size_execute0_lowered;
	s3 =	sadd.s32 s3, s5;
	[dreg:$0x0] =	wrdreg $0x0  }
0xa8: {  	s5 =	sshll.u32 s28, $0x1;
	[dreg:$0x2] =	wrdreg s3  }
0xa9: {  	[dreg:$0x3] =	wrdreg s5  }
0xaa: {  	[dreg:$0x4] =	wrdreg $0xC0  }
0xab: {  	_ =	task [dreg:s7], $0x5FFFF  }
0xac: {  	[dreg:$0x1] =	wrdreg $0xFFFFFFFF  }
0xad: {  	[dreg:$0x0] =	wrdreg $0x60  }
0xae: {  	[dreg:$0x2] =	wrdreg s24  }
0xaf: {  	[dreg:$0x3] =	wrdreg s2  }
0xb0: {  	[dreg:$0x4] =	wrdreg $0x9  }
0xb1: {  	_ =	task.clear_ibuf [dreg:s7], $0x5FFFF;
	_ =	strace $0x90000046  }
0xb2: {  	s29 =	simm.s32 $0x9;
	_ =	strace $0x80000048  }
0xb3: {  	_ =	swait.ge [sflag:s29], $0x1  }
0xb4: {  	[sflag:s29] =	ssyncadd.s32 $0xFFFFFFFF  }
0xb5: {  	_ =	strace $0x90000048  }
0xb6: {  	_ =	sfence  }
0xb7: {  	s30 =	sld [smem:$0x0];
	_ =	sdelay $0x2  }
0xb8: {  	s31 =	sshll.u32 s1, $0xD;
	s1 =	sshrl.u32 s1, $0x2  }
0xb9: {  	s3 =	sand.u32 $0x4000, s31;
	s1 =	sadd.s32 s1, s30  }
0xba: {  	s0 =	sor.u32 s3, s0;
	s1 =	sshll.u32 s1, $0x11  }
0xbb: {  	s0 =	sor.u32 s1, s0  }
0xbc: {  	s0 =	sadd.s32 $0x8F2B, s0  }
0xbd: {  	[sflag:s0] =	ssyncadd.remote.s32 $0x1  }
0xbe: {  	_ =	sfence.sel $0xFFFF  }
0xbf: {  	[dreg:$0x0] =	wrdreg $0xFFFFFFFF;
	(pc) =	sbr.abs _section_cstart, $3  }
0xc0: {  	[dreg:$0x1] =	wrdreg $0xFFFFFFFF  }
0xc1: {  	_ =	task.clear_ibuf [dreg:s7], $0x2FFFF;
	_ =	strace $0x9FFFFFFF  }
0xc2: {  	(tm) =	ssettm $0x7FFFFFFF  }
0xc3: {  	_ =	shalt  }
tec
execute0_lowered:
.L_overlay_start_1:
0x0: {  	(tag) =	ssettag $0x1  }
0x1: {  	s0 =	srdreg.scid  }
0x2: {  	s2 =	stileid.u32;
	s1 =	rddreg [dreg:$0x0]  }
0x3: {  	s9 =	simm.s32 $0x80;
	s11 =	simm.s32 $0x9;
	s12 =	simm.s32 $0x48  }
0x4: {  	s24 =	simm.s32 $0xFA00;
	s26 =	simm.s32 $0x11A00;
	s28 =	simm.s32 $0x1  }
0x5: {  	s29 =	simm.s32 $0x12C00;
	s30 =	simm.s32 $0x2;
	s31 =	simm.s32 $0x15E00  }
0x6: {  	s14 =	simm.s32 $0x4;
	s15 =	simm.s32 $0x1C200;
	s16 =	simm.s32 $0x5  }
0x7: {  	s17 =	simm.s32 $0x6;
	s18 =	simm.s32 $0x7;
	s0 =	sand.u32 $0x1, s0  }
0x8: {  	s19 =	simm.s32 $0x8;
	s3 =	sshll.u32 s2, $0x8;
	s4 =	sshll.u32 s0, $0x7  }
0x9: {  	s20 =	simm.s32 $0x0;
	s0 =	ssub.s32 $0x2, s0;
	s3 =	sor.u32 s4, s3  }
.Ltmp0:
0xa: {  	s4 =	simm.s32 $0x0;
	s6 =	sshrl.u32 s0, $0x1;
	(pc) =	sbr.rel .LBB2_1-.Ltmp0, $4  }
0xb: {  	s5 =	smul.u32 $0x19, s3;
	[smem:$0x7FF] =	sst s4;
	s0 =	ssub.s32 s0, s6  }
0xc: {  	s2 =	rddreg [dreg:$0x1];
	_ =	strace $0x80000047;
	s8 =	smax.u32 s0, $0x1  }
0xd: {  	s0 =	simm.s32 $0x19000;
	s7 =	sadd.s32 s5, s1;
	s5 =	sadd.s32 $0xF42E00, s1  }
0xe: {  	s1 =	simm.s32 $0x3;
	s6 =	sadd.s32 $0xA00, s7;
	s7 =	sadd.s32 $0xA10, s7  }
.LBB2_12:
0xf: {  	_ =	swait.ge [sflag:s16], $0x3200  }
0x10: {  	[sflag:s16] =	ssyncset.done $0x0  }
0x11: {  	[sflag:s16] =	ssyncadd.s32 $0xFFFFCE00  }
0x12: {  	_ =	swait.ge [sflag:s17], $0x3200  }
0x13: {  	[sflag:s17] =	ssyncset.done $0x0  }
0x14: {  	s20 =	sadd.s32 $0x1, s20;
	[sflag:s17] =	ssyncadd.s32 $0xFFFFCE00  }
0x15: {  	p0 =	sne.s32 s20, s8;
	_ =	swait.ge [sflag:s18], $0x3200  }
.Ltmp1:
0x16: {  	[sflag:s18] =	ssyncset.done $0x0;
	(pc) =	sbr.rel @!p0 .LBB2_13-.Ltmp1, $4  }
0x17: {  	[sflag:s18] =	ssyncadd.s32 $0xFFFFCE00  }
0x18: {  	_ =	swait.ge [sflag:s19], $0x3200  }
0x19: {  	[sflag:s19] =	ssyncset.done $0x0  }
0x1a: {  	[sflag:s19] =	ssyncadd.s32 $0xFFFFCE00  }
.LBB2_1:
0x1b: {  	s10 =	simm.s32 $0xC8  }
0x1c: {  	[tilespmem:s4], [sflag:$0x9] =	stream.strided.gather [hbm4b:s6+s9], $0x4000, s10, s9, $0x38;
	[tilespmem:$0x1F400] =	vst v63  }
0x1d: {  	_ =	swait.ge [sflag:s11], $0x4000  }
0x1e: {  	[sflag:s11] =	ssyncset.done $0x0  }
0x1f: {  	s13 =	simm.s32 $0x4000;
	[sflag:s11] =	ssyncadd.s32 $0xFFFFC000  }
0x20: {  	[tilespmem:s13], [sflag:$0x9] =	stream.strided.gather [hbm4b:s7+s12], $0x2400, s10, s12, $0x38;
	[tilespmem:$0x1F400] =	vst v63  }
0x21: {  	_ =	swait.ge [sflag:s11], $0x2400  }
0x22: {  	[sflag:s11] =	ssyncset.done $0x0  }
0x23: {  	s23 =	simm.s32 $0x6400;
	[sflag:s11] =	ssyncadd.s32 $0xFFFFDC00  }
0x24: {  	[tilespmem:s23], [sflag:$0x1] =	stream.indirect.gather [hbm4b:s5+s9], $0x40, s4, s9, $0xb8;
	[tilespmem:$0x1F400] =	vst v63  }
0x25: {  	s25 =	simm.s32 $0x8400  }
0x26: {  	[tilespmem:s25], [sflag:$0x1] =	stream.indirect.gather [hbm4b:s5+s12], $0x40, s13, s12, $0xb8;
	[tilespmem:$0x1F400] =	vst v63  }
0x27: {  	s13 =	simm.s32 $0x9600  }
0x28: {  	[tilespmem:s13], [sflag:$0x2] =	stream.indirect.gather [hbm4b:s5+s9], $0x40, s9, s9, $0xb8;
	[tilespmem:$0x1F400] =	vst v63  }
0x29: {  	s21 =	simm.s32 $0x4048;
	s22 =	simm.s32 $0xB600  }
0x2a: {  	[tilespmem:s22], [sflag:$0x2] =	stream.indirect.gather [hbm4b:s5+s12], $0x40, s21, s12, $0xb8;
	[tilespmem:$0x1F400] =	vst v63  }
0x2b: {  	s23 =	simm.s32 $0x100;
	s25 =	simm.s32 $0xC800  }
0x2c: {  	[tilespmem:s25], [sflag:$0x3] =	stream.indirect.gather [hbm4b:s5+s9], $0x40, s23, s9, $0xb8;
	[tilespmem:$0x1F400] =	vst v63  }
0x2d: {  	s21 =	simm.s32 $0x4090;
	s22 =	simm.s32 $0xE800  }
0x2e: {  	[tilespmem:s22], [sflag:$0x3] =	stream.indirect.gather [hbm4b:s5+s12], $0x40, s21, s12, $0xb8;
	[tilespmem:$0x1F400] =	vst v63  }
0x2f: {  	s23 =	simm.s32 $0x180  }
0x30: {  	[tilespmem:s24], [sflag:$0x4] =	stream.indirect.gather [hbm4b:s5+s9], $0x40, s23, s9, $0xb8;
	[tilespmem:$0x1F400] =	vst v63  }
0x31: {  	s25 =	simm.s32 $0x40D8;
	s21 =	simm.s32 $0x0  }
0x32: {  	[tilespmem:s26], [sflag:$0x4] =	stream.indirect.gather [hbm4b:s5+s12], $0x40, s25, s12, $0xb8;
	[tilespmem:$0x1F400] =	vst v63  }
.LBB2_2:
0x33: {  	_ =	swait.ge [sflag:s28], $0x2000  }
0x34: {  	[sflag:s28] =	ssyncset.done $0x0  }
0x35: {  	[sflag:s28] =	ssyncadd.s32 $0xFFFFE000  }
0x36: {  	_ =	swait.ge [sflag:s28], $0x1200  }
0x37: {  	p0 =	seq.s32 s21, $0x0;
	[sflag:s28] =	ssyncset.done $0x0  }
0x38: {  	s10 =	simm.s32 @!p0 $0x5;
	[sflag:s28] =	ssyncadd.s32 $0xFFFFEE00  }
0x39: {  	_ =	swait.ge @!p0 [sflag:s10], $0x3200  }
0x3a: {  	[sflag:s10] =	ssyncset.done @!p0 $0x0  }
0x3b: {  	s13 =	simm.s32 $0x6500;
	[sflag:s10] =	ssyncadd.s32 @!p0 $0xFFFFCE00  }
0x3c: {  	v0 =	vld [tilespmem:s13+$0xC0]  }
0x3d: {  	v1 =	vld [tilespmem:s13+$0xFFFFFF40]  }
0x3e: {  	v2 =	vld [tilespmem:s13+$0xFFFFFF80]  }
0x3f: {  	v3 =	vld [tilespmem:s13+$0xFFFFFFC0]  }
0x40: {  	v4 =	vld [tilespmem:s13+$0x0]  }
0x41: {  	v5 =	vld [tilespmem:s13+$0x40];
	v0 =	vmul.f32 $8.000000000e+00, v0  }
0x42: {  	s23 =	simm.s32 $0x12D00;
	v6 =	vld [tilespmem:s13+$0x80];
	v1 =	vmul.f32 $8.000000000e+00, v1  }
0x43: {  	v7 =	vld [tilespmem:s13+$0xFFFFFF00];
	v2 =	vmul.f32 $8.000000000e+00, v2;
	[tilespmem:s23+$0xC0] =	vst v0  }
0x44: {  	[tilespmem:s23+$0xFFFFFF40] =	vst v1;
	v0 =	vmul.f32 $8.000000000e+00, v3;
	v1 =	vld [tilespmem:s13+$0xD0]  }
0x45: {  	[tilespmem:s23+$0xFFFFFF80] =	vst v2;
	v2 =	vmul.f32 $8.000000000e+00, v4;
	v3 =	vld [tilespmem:s13+$0xFFFFFF50]  }
0x46: {  	v4 =	vld [tilespmem:s13+$0xFFFFFF90];
	[tilespmem:s23+$0xFFFFFFC0] =	vst v0;
	v0 =	vmul.f32 $8.000000000e+00, v5  }
0x47: {  	[tilespmem:s23+$0x0] =	vst v2;
	v2 =	vmul.f32 $8.000000000e+00, v6;
	v5 =	vld [tilespmem:s13+$0xFFFFFFD0]  }
0x48: {  	v6 =	vmul.f32 $8.000000000e+00, v7;
	v7 =	vld [tilespmem:s13+$0x10];
	[tilespmem:s23+$0x40] =	vst v0  }
0x49: {  	[tilespmem:s23+$0x80] =	vst v2;
	v0 =	vld [tilespmem:s13+$0x50];
	v1 =	vmul.f32 $8.000000000e+00, v1  }
0x4a: {  	[tilespmem:s23+$0xFFFFFF00] =	vst v6;
	v2 =	vmul.f32 $8.000000000e+00, v3;
	v3 =	vld [tilespmem:s13+$0x90]  }
0x4b: {  	v6 =	vld [tilespmem:s13+$0xFFFFFF10];
	v4 =	vmul.f32 $8.000000000e+00, v4;
	[tilespmem:s23+$0xD0] =	vst v1  }
0x4c: {  	[tilespmem:s23+$0xFFFFFF50] =	vst v2;
	v1 =	vmul.f32 $8.000000000e+00, v5;
	v2 =	vld [tilespmem:s13+$0xE0]  }
0x4d: {  	[tilespmem:s23+$0xFFFFFF90] =	vst v4;
	v4 =	vmul.f32 $8.000000000e+00, v7;
	v5 =	vld [tilespmem:s13+$0xFFFFFF60]  }
0x4e: {  	v7 =	vld [tilespmem:s13+$0xFFFFFFA0];
	[tilespmem:s23+$0xFFFFFFD0] =	vst v1;
	v0 =	vmul.f32 $8.000000000e+00, v0  }
0x4f: {  	[tilespmem:s23+$0x10] =	vst v4;
	v1 =	vld [tilespmem:s13+$0xFFFFFFE0];
	v3 =	vmul.f32 $8.000000000e+00, v3  }
0x50: {  	v4 =	vmul.f32 $8.000000000e+00, v6;
	v6 =	vld [tilespmem:s13+$0x20];
	[tilespmem:s23+$0x50] =	vst v0  }
0x51: {  	v0 =	vld [tilespmem:s13+$0x60];
	[tilespmem:s23+$0x90] =	vst v3;
	v2 =	vmul.f32 $8.000000000e+00, v2  }
0x52: {  	[tilespmem:s23+$0xFFFFFF10] =	vst v4;
	v3 =	vmul.f32 $8.000000000e+00, v5;
	v4 =	vld [tilespmem:s13+$0xA0]  }
0x53: {  	v5 =	vld [tilespmem:s13+$0xFFFFFF20];
	v7 =	vmul.f32 $8.000000000e+00, v7;
	[tilespmem:s23+$0xE0] =	vst v2  }
0x54: {  	[tilespmem:s23+$0xFFFFFF60] =	vst v3;
	v1 =	vmul.f32 $8.000000000e+00, v1;
	v3 =	vld [tilespmem:s13+$0xF0]  }
0x55: {  	[tilespmem:s23+$0xFFFFFFA0] =	vst v7;
	v2 =	vmul.f32 $8.000000000e+00, v6;
	v8 =	vld [tilespmem:s13+$0xFFFFFF70]  }
0x56: {  	v7 =	vld [tilespmem:s13+$0xFFFFFFB0];
	[tilespmem:s23+$0xFFFFFFE0] =	vst v1;
	v1 =	vmul.f32 $8.000000000e+00, v0  }
0x57: {  	[tilespmem:s23+$0x20] =	vst v2;
	v0 =	vld [tilespmem:s13+$0xFFFFFFF0];
	v4 =	vmul.f32 $8.000000000e+00, v4  }
0x58: {  	v5 =	vmul.f32 $8.000000000e+00, v5;
	v2 =	vld [tilespmem:s13+$0x30];
	[tilespmem:s23+$0x60] =	vst v1  }
0x59: {  	v1 =	vld [tilespmem:s13+$0x70];
	[tilespmem:s23+$0xA0] =	vst v4;
	v9 =	vmul.f32 $8.000000000e+00, v3  }
0x5a: {  	[tilespmem:s23+$0xFFFFFF20] =	vst v5;
	v3 =	vld [tilespmem:s13+$0xB0];
	v6 =	vmul.f32 $8.000000000e+00, v8  }
0x5b: {  	s22 =	sshll.u32 s21, $0x2;
	s25 =	simm.s32 $0x0;
	s10 =	simm.s32 $0x6700;
	v4 =	vld [tilespmem:s13+$0xFFFFFF30];
	v5 =	vmul.f32 $8.000000000e+00, v7;
	[tilespmem:s23+$0xF0] =	vst v9  }
.LBB2_3:
0x5c: {  	v7 =	vld [tilespmem:s10+$0xC0];
	s25 =	sadd.s32 $0x8, s25;
	[tilespmem:s23+$0xFFFFFF70] =	vst v6;
	v0 =	vmul.f32 $8.000000000e+00, v0  }
0x5d: {  	v6 =	vld [tilespmem:s10+$0xFFFFFF40];
	p1 =	slt.u32 s25, $0xC0;
	[tilespmem:s23+$0xFFFFFFB0] =	vst v5;
	v2 =	vmul.f32 $8.000000000e+00, v2  }
0x5e: {  	v5 =	vld [tilespmem:s10+$0xFFFFFF80];
	[tilespmem:s23+$0xFFFFFFF0] =	vst v0;
	v0 =	vmul.f32 $8.000000000e+00, v1  }
0x5f: {  	v1 =	vld [tilespmem:s10+$0xFFFFFFC0];
	[tilespmem:s23+$0x30] =	vst v2;
	v2 =	vmul.f32 $8.000000000e+00, v3  }
0x60: {  	v3 =	vld [tilespmem:s10+$0x0];
	v4 =	vmul.f32 $8.000000000e+00, v4;
	[tilespmem:s23+$0x70] =	vst v0  }
0x61: {  	v0 =	vld [tilespmem:s10+$0x40];
	v7 =	vmul.f32 $8.000000000e+00, v7;
	[tilespmem:s23+$0xB0] =	vst v2  }
0x62: {  	v2 =	vmul.f32 $8.000000000e+00, v6;
	v6 =	vld [tilespmem:s10+$0x80];
	[tilespmem:s23+$0xFFFFFF30] =	vst v4;
	s23 =	sadd.s32 $0x200, s23  }
0x63: {  	v4 =	vld [tilespmem:s10+$0xFFFFFF00];
	v5 =	vmul.f32 $8.000000000e+00, v5;
	[tilespmem:s23+$0xC0] =	vst v7  }
0x64: {  	[tilespmem:s23+$0xFFFFFF40] =	vst v2;
	v1 =	vmul.f32 $8.000000000e+00, v1;
	v2 =	vld [tilespmem:s10+$0xD0]  }
0x65: {  	v7 =	vld [tilespmem:s10+$0xFFFFFF50];
	[tilespmem:s23+$0xFFFFFF80] =	vst v5;
	v3 =	vmul.f32 $8.000000000e+00, v3  }
0x66: {  	v5 =	vld [tilespmem:s10+$0xFFFFFF90];
	[tilespmem:s23+$0xFFFFFFC0] =	vst v1;
	v0 =	vmul.f32 $8.000000000e+00, v0  }
0x67: {  	v1 =	vld [tilespmem:s10+$0xFFFFFFD0];
	[tilespmem:s23+$0x0] =	vst v3;
	v3 =	vmul.f32 $8.000000000e+00, v6  }
0x68: {  	v4 =	vmul.f32 $8.000000000e+00, v4;
	v6 =	vld [tilespmem:s10+$0x10];
	[tilespmem:s23+$0x40] =	vst v0  }
0x69: {  	v0 =	vld [tilespmem:s10+$0x50];
	[tilespmem:s23+$0x80] =	vst v3;
	v2 =	vmul.f32 $8.000000000e+00, v2  }
0x6a: {  	[tilespmem:s23+$0xFFFFFF00] =	vst v4;
	v3 =	vmul.f32 $8.000000000e+00, v7;
	v4 =	vld [tilespmem:s10+$0x90]  }
0x6b: {  	v7 =	vld [tilespmem:s10+$0xFFFFFF10];
	v5 =	vmul.f32 $8.000000000e+00, v5;
	[tilespmem:s23+$0xD0] =	vst v2  }
0x6c: {  	[tilespmem:s23+$0xFFFFFF50] =	vst v3;
	v1 =	vmul.f32 $8.000000000e+00, v1;
	v2 =	vld [tilespmem:s10+$0xE0]  }
0x6d: {  	v3 =	vld [tilespmem:s10+$0xFFFFFF60];
	[tilespmem:s23+$0xFFFFFF90] =	vst v5;
	v5 =	vmul.f32 $8.000000000e+00, v6  }
0x6e: {  	v6 =	vld [tilespmem:s10+$0xFFFFFFA0];
	[tilespmem:s23+$0xFFFFFFD0] =	vst v1;
	v0 =	vmul.f32 $8.000000000e+00, v0  }
0x6f: {  	v1 =	vld [tilespmem:s10+$0xFFFFFFE0];
	[tilespmem:s23+$0x10] =	vst v5;
	v4 =	vmul.f32 $8.000000000e+00, v4  }
0x70: {  	v5 =	vmul.f32 $8.000000000e+00, v7;
	v7 =	vld [tilespmem:s10+$0x20];
	[tilespmem:s23+$0x50] =	vst v0  }
0x71: {  	v0 =	vld [tilespmem:s10+$0x60];
	[tilespmem:s23+$0x90] =	vst v4;
	v2 =	vmul.f32 $8.000000000e+00, v2  }
0x72: {  	[tilespmem:s23+$0xFFFFFF10] =	vst v5;
	v3 =	vmul.f32 $8.000000000e+00, v3;
	v4 =	vld [tilespmem:s10+$0xA0]  }
0x73: {  	v5 =	vld [tilespmem:s10+$0xFFFFFF20];
	v6 =	vmul.f32 $8.000000000e+00, v6;
	[tilespmem:s23+$0xE0] =	vst v2  }
0x74: {  	[tilespmem:s23+$0xFFFFFF60] =	vst v3;
	v1 =	vmul.f32 $8.000000000e+00, v1;
	v3 =	vld [tilespmem:s10+$0xF0]  }
0x75: {  	v8 =	vld [tilespmem:s10+$0xFFFFFF70];
	[tilespmem:s23+$0xFFFFFFA0] =	vst v6;
	v2 =	vmul.f32 $8.000000000e+00, v7  }
0x76: {  	v7 =	vld [tilespmem:s10+$0xFFFFFFB0];
	[tilespmem:s23+$0xFFFFFFE0] =	vst v1;
	v1 =	vmul.f32 $8.000000000e+00, v0  }
.Ltmp2:
0x77: {  	v0 =	vld [tilespmem:s10+$0xFFFFFFF0];
	[tilespmem:s23+$0x20] =	vst v2;
	v4 =	vmul.f32 $8.000000000e+00, v4;
	(pc) =	sbr.rel @p1 .LBB2_3-.Ltmp2, $4  }
0x78: {  	v5 =	vmul.f32 $8.000000000e+00, v5;
	v2 =	vld [tilespmem:s10+$0x30];
	[tilespmem:s23+$0x60] =	vst v1  }
0x79: {  	v1 =	vld [tilespmem:s10+$0x70];
	[tilespmem:s23+$0xA0] =	vst v4;
	v9 =	vmul.f32 $8.000000000e+00, v3  }
0x7a: {  	[tilespmem:s23+$0xFFFFFF20] =	vst v5;
	v6 =	vmul.f32 $8.000000000e+00, v8;
	v3 =	vld [tilespmem:s10+$0xB0]  }
0x7b: {  	v4 =	vld [tilespmem:s10+$0xFFFFFF30];
	v5 =	vmul.f32 $8.000000000e+00, v7;
	[tilespmem:s23+$0xF0] =	vst v9;
	s10 =	sadd.s32 $0x200, s10  }
0x7c: {  	[tilespmem:s23+$0xFFFFFF70] =	vst v6;
	v0 =	vmul.f32 $8.000000000e+00, v0  }
0x7d: {  	[tilespmem:s23+$0xFFFFFFB0] =	vst v5;
	v2 =	vmul.f32 $8.000000000e+00, v2  }
0x7e: {  	[tilespmem:s23+$0xFFFFFFF0] =	vst v0;
	v0 =	vmul.f32 $8.000000000e+00, v1  }
0x7f: {  	s10 =	sadd.s32 s3, s22;
	[tilespmem:s23+$0x30] =	vst v2;
	v1 =	vmul.f32 $8.000000000e+00, v3  }
0x80: {  	s10 =	smul.u32 $0x640, s10;
	v2 =	vmul.f32 $8.000000000e+00, v4;
	[tilespmem:s23+$0x70] =	vst v0  }
0x81: {  	[tilespmem:s23+$0xB0] =	vst v1  }
0x82: {  	p1 =	seq.s32 s21, $0x1F;
	s10 =	sadd.s32 s2, s10;
	[tilespmem:s23+$0xFFFFFF30] =	vst v2  }
0x83: {  	[hbm4b:s10+s4] =	stream.linear.scatter [tilespmem:s29], [sflag:$0x5], $0x3200, $0x38;
	[tilespmem:$0x1F400] =	vst v63  }
0x84: {  	s10 =	sadd.s32 @!p1 $0x4, s22  }
0x85: {  	s25 =	simm.s32 @!p1 $0x6400;
	s13 =	sshll.u32 @!p1 s10, $0x7  }
0x86: {  	s23 =	simm.s32 @!p1 $0x80;
	s10 =	smul.u32 @!p1 $0x120, s10;
	s13 =	sand.u32 @!p1 $0x3FFFFF80, s13  }
0x87: {  	[tilespmem:s25], [sflag:$0x1] =	stream.indirect.gather @!p1 [hbm4b:s5+s23], $0x40, s13, s23, $0xb8;
	[tilespmem:$0x1F400] =	vst v63  }
0x88: {  	s10 =	sshra.s32 @!p1 s10, $0x2  }
0x89: {  	s13 =	simm.s32 @!p1 $0x48;
	s23 =	simm.s32 @!p1 $0x8400;
	s10 =	sadd.s32 @!p1 $0x4000, s10  }
0x8a: {  	[tilespmem:s23], [sflag:$0x1] =	stream.indirect.gather @!p1 [hbm4b:s5+s13], $0x40, s10, s13, $0xb8;
	[tilespmem:$0x1F400] =	vst v63  }
0x8b: {  	_ =	swait.ge [sflag:s30], $0x2000  }
0x8c: {  	[sflag:s30] =	ssyncset.done $0x0  }
0x8d: {  	[sflag:s30] =	ssyncadd.s32 $0xFFFFE000  }
0x8e: {  	_ =	swait.ge [sflag:s30], $0x1200  }
0x8f: {  	[sflag:s30] =	ssyncset.done $0x0  }
0x90: {  	s10 =	simm.s32 @!p0 $0x6;
	[sflag:s30] =	ssyncadd.s32 $0xFFFFEE00  }
0x91: {  	_ =	swait.ge @!p0 [sflag:s10], $0x3200  }
0x92: {  	[sflag:s10] =	ssyncset.done @!p0 $0x0  }
0x93: {  	s13 =	simm.s32 $0x9700;
	[sflag:s10] =	ssyncadd.s32 @!p0 $0xFFFFCE00  }
0x94: {  	v0 =	vld [tilespmem:s13+$0xC0]  }
0x95: {  	v1 =	vld [tilespmem:s13+$0xFFFFFF40]  }
0x96: {  	v2 =	vld [tilespmem:s13+$0xFFFFFF80]  }
0x97: {  	v3 =	vld [tilespmem:s13+$0xFFFFFFC0]  }
0x98: {  	v4 =	vld [tilespmem:s13+$0x0]  }
0x99: {  	v5 =	vld [tilespmem:s13+$0x40];
	v0 =	vmul.f32 $8.000000000e+00, v0  }
0x9a: {  	s23 =	simm.s32 $0x15F00;
	v6 =	vld [tilespmem:s13+$0x80];
	v1 =	vmul.f32 $8.000000000e+00, v1  }
0x9b: {  	v7 =	vld [tilespmem:s13+$0xFFFFFF00];
	v2 =	vmul.f32 $8.000000000e+00, v2;
	[tilespmem:s23+$0xC0] =	vst v0  }
0x9c: {  	[tilespmem:s23+$0xFFFFFF40] =	vst v1;
	v0 =	vmul.f32 $8.000000000e+00, v3;
	v1 =	vld [tilespmem:s13+$0xD0]  }
0x9d: {  	[tilespmem:s23+$0xFFFFFF80] =	vst v2;
	v2 =	vmul.f32 $8.000000000e+00, v4;
	v3 =	vld [tilespmem:s13+$0xFFFFFF50]  }
0x9e: {  	v4 =	vld [tilespmem:s13+$0xFFFFFF90];
	[tilespmem:s23+$0xFFFFFFC0] =	vst v0;
	v0 =	vmul.f32 $8.000000000e+00, v5  }
0x9f: {  	[tilespmem:s23+$0x0] =	vst v2;
	v2 =	vmul.f32 $8.000000000e+00, v6;
	v5 =	vld [tilespmem:s13+$0xFFFFFFD0]  }
0xa0: {  	v6 =	vmul.f32 $8.000000000e+00, v7;
	v7 =	vld [tilespmem:s13+$0x10];
	[tilespmem:s23+$0x40] =	vst v0  }
0xa1: {  	[tilespmem:s23+$0x80] =	vst v2;
	v0 =	vld [tilespmem:s13+$0x50];
	v1 =	vmul.f32 $8.000000000e+00, v1  }
0xa2: {  	[tilespmem:s23+$0xFFFFFF00] =	vst v6;
	v2 =	vmul.f32 $8.000000000e+00, v3;
	v3 =	vld [tilespmem:s13+$0x90]  }
0xa3: {  	v6 =	vld [tilespmem:s13+$0xFFFFFF10];
	v4 =	vmul.f32 $8.000000000e+00, v4;
	[tilespmem:s23+$0xD0] =	vst v1  }
0xa4: {  	[tilespmem:s23+$0xFFFFFF50] =	vst v2;
	v1 =	vmul.f32 $8.000000000e+00, v5;
	v2 =	vld [tilespmem:s13+$0xE0]  }
0xa5: {  	[tilespmem:s23+$0xFFFFFF90] =	vst v4;
	v4 =	vmul.f32 $8.000000000e+00, v7;
	v5 =	vld [tilespmem:s13+$0xFFFFFF60]  }
0xa6: {  	v7 =	vld [tilespmem:s13+$0xFFFFFFA0];
	[tilespmem:s23+$0xFFFFFFD0] =	vst v1;
	v0 =	vmul.f32 $8.000000000e+00, v0  }
0xa7: {  	[tilespmem:s23+$0x10] =	vst v4;
	v1 =	vld [tilespmem:s13+$0xFFFFFFE0];
	v3 =	vmul.f32 $8.000000000e+00, v3  }
0xa8: {  	v4 =	vmul.f32 $8.000000000e+00, v6;
	v6 =	vld [tilespmem:s13+$0x20];
	[tilespmem:s23+$0x50] =	vst v0  }
0xa9: {  	v0 =	vld [tilespmem:s13+$0x60];
	[tilespmem:s23+$0x90] =	vst v3;
	v2 =	vmul.f32 $8.000000000e+00, v2  }
0xaa: {  	[tilespmem:s23+$0xFFFFFF10] =	vst v4;
	v3 =	vmul.f32 $8.000000000e+00, v5;
	v4 =	vld [tilespmem:s13+$0xA0]  }
0xab: {  	v5 =	vld [tilespmem:s13+$0xFFFFFF20];
	v7 =	vmul.f32 $8.000000000e+00, v7;
	[tilespmem:s23+$0xE0] =	vst v2  }
0xac: {  	[tilespmem:s23+$0xFFFFFF60] =	vst v3;
	v1 =	vmul.f32 $8.000000000e+00, v1;
	v3 =	vld [tilespmem:s13+$0xF0]  }
0xad: {  	[tilespmem:s23+$0xFFFFFFA0] =	vst v7;
	v2 =	vmul.f32 $8.000000000e+00, v6;
	v8 =	vld [tilespmem:s13+$0xFFFFFF70]  }
0xae: {  	v7 =	vld [tilespmem:s13+$0xFFFFFFB0];
	[tilespmem:s23+$0xFFFFFFE0] =	vst v1;
	v1 =	vmul.f32 $8.000000000e+00, v0  }
0xaf: {  	[tilespmem:s23+$0x20] =	vst v2;
	v0 =	vld [tilespmem:s13+$0xFFFFFFF0];
	v4 =	vmul.f32 $8.000000000e+00, v4  }
0xb0: {  	v5 =	vmul.f32 $8.000000000e+00, v5;
	v2 =	vld [tilespmem:s13+$0x30];
	[tilespmem:s23+$0x60] =	vst v1  }
0xb1: {  	v1 =	vld [tilespmem:s13+$0x70];
	[tilespmem:s23+$0xA0] =	vst v4;
	v9 =	vmul.f32 $8.000000000e+00, v3  }
0xb2: {  	[tilespmem:s23+$0xFFFFFF20] =	vst v5;
	v3 =	vld [tilespmem:s13+$0xB0];
	v6 =	vmul.f32 $8.000000000e+00, v8  }
0xb3: {  	s25 =	sor.u32 $0x1, s22;
	s10 =	simm.s32 $0x0;
	v4 =	vld [tilespmem:s13+$0xFFFFFF30];
	v5 =	vmul.f32 $8.000000000e+00, v7;
	s13 =	simm.s32 $0x9900;
	[tilespmem:s23+$0xF0] =	vst v9  }
.LBB2_5:
0xb4: {  	v7 =	vld [tilespmem:s13+$0xC0];
	s10 =	sadd.s32 $0x8, s10;
	[tilespmem:s23+$0xFFFFFF70] =	vst v6;
	v0 =	vmul.f32 $8.000000000e+00, v0  }
0xb5: {  	v6 =	vld [tilespmem:s13+$0xFFFFFF40];
	p2 =	slt.u32 s10, $0xC0;
	[tilespmem:s23+$0xFFFFFFB0] =	vst v5;
	v2 =	vmul.f32 $8.000000000e+00, v2  }
0xb6: {  	v5 =	vld [tilespmem:s13+$0xFFFFFF80];
	[tilespmem:s23+$0xFFFFFFF0] =	vst v0;
	v0 =	vmul.f32 $8.000000000e+00, v1  }
0xb7: {  	v1 =	vld [tilespmem:s13+$0xFFFFFFC0];
	[tilespmem:s23+$0x30] =	vst v2;
	v2 =	vmul.f32 $8.000000000e+00, v3  }
0xb8: {  	v3 =	vld [tilespmem:s13+$0x0];
	v4 =	vmul.f32 $8.000000000e+00, v4;
	[tilespmem:s23+$0x70] =	vst v0  }
0xb9: {  	v0 =	vld [tilespmem:s13+$0x40];
	v7 =	vmul.f32 $8.000000000e+00, v7;
	[tilespmem:s23+$0xB0] =	vst v2  }
0xba: {  	v2 =	vmul.f32 $8.000000000e+00, v6;
	v6 =	vld [tilespmem:s13+$0x80];
	[tilespmem:s23+$0xFFFFFF30] =	vst v4;
	s23 =	sadd.s32 $0x200, s23  }
0xbb: {  	v4 =	vld [tilespmem:s13+$0xFFFFFF00];
	v5 =	vmul.f32 $8.000000000e+00, v5;
	[tilespmem:s23+$0xC0] =	vst v7  }
0xbc: {  	[tilespmem:s23+$0xFFFFFF40] =	vst v2;
	v1 =	vmul.f32 $8.000000000e+00, v1;
	v2 =	vld [tilespmem:s13+$0xD0]  }
0xbd: {  	v7 =	vld [tilespmem:s13+$0xFFFFFF50];
	[tilespmem:s23+$0xFFFFFF80] =	vst v5;
	v3 =	vmul.f32 $8.000000000e+00, v3  }
0xbe: {  	v5 =	vld [tilespmem:s13+$0xFFFFFF90];
	[tilespmem:s23+$0xFFFFFFC0] =	vst v1;
	v0 =	vmul.f32 $8.000000000e+00, v0  }
0xbf: {  	v1 =	vld [tilespmem:s13+$0xFFFFFFD0];
	[tilespmem:s23+$0x0] =	vst v3;
	v3 =	vmul.f32 $8.000000000e+00, v6  }
0xc0: {  	v4 =	vmul.f32 $8.000000000e+00, v4;
	v6 =	vld [tilespmem:s13+$0x10];
	[tilespmem:s23+$0x40] =	vst v0  }
0xc1: {  	v0 =	vld [tilespmem:s13+$0x50];
	[tilespmem:s23+$0x80] =	vst v3;
	v2 =	vmul.f32 $8.000000000e+00, v2  }
0xc2: {  	[tilespmem:s23+$0xFFFFFF00] =	vst v4;
	v3 =	vmul.f32 $8.000000000e+00, v7;
	v4 =	vld [tilespmem:s13+$0x90]  }
0xc3: {  	v7 =	vld [tilespmem:s13+$0xFFFFFF10];
	v5 =	vmul.f32 $8.000000000e+00, v5;
	[tilespmem:s23+$0xD0] =	vst v2  }
0xc4: {  	[tilespmem:s23+$0xFFFFFF50] =	vst v3;
	v1 =	vmul.f32 $8.000000000e+00, v1;
	v2 =	vld [tilespmem:s13+$0xE0]  }
0xc5: {  	v3 =	vld [tilespmem:s13+$0xFFFFFF60];
	[tilespmem:s23+$0xFFFFFF90] =	vst v5;
	v5 =	vmul.f32 $8.000000000e+00, v6  }
0xc6: {  	v6 =	vld [tilespmem:s13+$0xFFFFFFA0];
	[tilespmem:s23+$0xFFFFFFD0] =	vst v1;
	v0 =	vmul.f32 $8.000000000e+00, v0  }
0xc7: {  	v1 =	vld [tilespmem:s13+$0xFFFFFFE0];
	[tilespmem:s23+$0x10] =	vst v5;
	v4 =	vmul.f32 $8.000000000e+00, v4  }
0xc8: {  	v5 =	vmul.f32 $8.000000000e+00, v7;
	v7 =	vld [tilespmem:s13+$0x20];
	[tilespmem:s23+$0x50] =	vst v0  }
0xc9: {  	v0 =	vld [tilespmem:s13+$0x60];
	[tilespmem:s23+$0x90] =	vst v4;
	v2 =	vmul.f32 $8.000000000e+00, v2  }
0xca: {  	[tilespmem:s23+$0xFFFFFF10] =	vst v5;
	v3 =	vmul.f32 $8.000000000e+00, v3;
	v4 =	vld [tilespmem:s13+$0xA0]  }
0xcb: {  	v5 =	vld [tilespmem:s13+$0xFFFFFF20];
	v6 =	vmul.f32 $8.000000000e+00, v6;
	[tilespmem:s23+$0xE0] =	vst v2  }
0xcc: {  	[tilespmem:s23+$0xFFFFFF60] =	vst v3;
	v1 =	vmul.f32 $8.000000000e+00, v1;
	v3 =	vld [tilespmem:s13+$0xF0]  }
0xcd: {  	v8 =	vld [tilespmem:s13+$0xFFFFFF70];
	[tilespmem:s23+$0xFFFFFFA0] =	vst v6;
	v2 =	vmul.f32 $8.000000000e+00, v7  }
0xce: {  	v7 =	vld [tilespmem:s13+$0xFFFFFFB0];
	[tilespmem:s23+$0xFFFFFFE0] =	vst v1;
	v1 =	vmul.f32 $8.000000000e+00, v0  }
.Ltmp3:
0xcf: {  	v0 =	vld [tilespmem:s13+$0xFFFFFFF0];
	[tilespmem:s23+$0x20] =	vst v2;
	v4 =	vmul.f32 $8.000000000e+00, v4;
	(pc) =	sbr.rel @p2 .LBB2_5-.Ltmp3, $4  }
0xd0: {  	v5 =	vmul.f32 $8.000000000e+00, v5;
	v2 =	vld [tilespmem:s13+$0x30];
	[tilespmem:s23+$0x60] =	vst v1  }
0xd1: {  	v1 =	vld [tilespmem:s13+$0x70];
	[tilespmem:s23+$0xA0] =	vst v4;
	v9 =	vmul.f32 $8.000000000e+00, v3  }
0xd2: {  	[tilespmem:s23+$0xFFFFFF20] =	vst v5;
	v6 =	vmul.f32 $8.000000000e+00, v8;
	v3 =	vld [tilespmem:s13+$0xB0]  }
0xd3: {  	v4 =	vld [tilespmem:s13+$0xFFFFFF30];
	v5 =	vmul.f32 $8.000000000e+00, v7;
	[tilespmem:s23+$0xF0] =	vst v9;
	s13 =	sadd.s32 $0x200, s13  }
0xd4: {  	[tilespmem:s23+$0xFFFFFF70] =	vst v6;
	v0 =	vmul.f32 $8.000000000e+00, v0  }
0xd5: {  	[tilespmem:s23+$0xFFFFFFB0] =	vst v5;
	v2 =	vmul.f32 $8.000000000e+00, v2  }
0xd6: {  	[tilespmem:s23+$0xFFFFFFF0] =	vst v0;
	v0 =	vmul.f32 $8.000000000e+00, v1  }
0xd7: {  	s10 =	sadd.s32 s3, s25;
	[tilespmem:s23+$0x30] =	vst v2;
	v1 =	vmul.f32 $8.000000000e+00, v3  }
0xd8: {  	s10 =	smul.u32 $0x640, s10;
	v2 =	vmul.f32 $8.000000000e+00, v4;
	[tilespmem:s23+$0x70] =	vst v0  }
0xd9: {  	[tilespmem:s23+$0xB0] =	vst v1  }
0xda: {  	s10 =	sadd.s32 s2, s10;
	[tilespmem:s23+$0xFFFFFF30] =	vst v2  }
0xdb: {  	[hbm4b:s10+s4] =	stream.linear.scatter [tilespmem:s31], [sflag:$0x6], $0x3200, $0x38;
	[tilespmem:$0x1F400] =	vst v63  }
0xdc: {  	s10 =	sadd.s32 @!p1 $0x5, s22  }
0xdd: {  	s25 =	simm.s32 @!p1 $0x9600;
	s13 =	sshll.u32 @!p1 s10, $0x7  }
0xde: {  	s23 =	simm.s32 @!p1 $0x80;
	s10 =	smul.u32 @!p1 $0x120, s10;
	s13 =	sand.u32 @!p1 $0x3FFFFF80, s13  }
0xdf: {  	[tilespmem:s25], [sflag:$0x2] =	stream.indirect.gather @!p1 [hbm4b:s5+s23], $0x40, s13, s23, $0xb8;
	[tilespmem:$0x1F400] =	vst v63  }
0xe0: {  	s10 =	sshra.s32 @!p1 s10, $0x2  }
0xe1: {  	s13 =	simm.s32 @!p1 $0x48;
	s23 =	simm.s32 @!p1 $0xB600;
	s10 =	sadd.s32 @!p1 $0x4000, s10  }
0xe2: {  	[tilespmem:s23], [sflag:$0x2] =	stream.indirect.gather @!p1 [hbm4b:s5+s13], $0x40, s10, s13, $0xb8;
	[tilespmem:$0x1F400] =	vst v63  }
0xe3: {  	_ =	swait.ge [sflag:s1], $0x2000  }
0xe4: {  	[sflag:s1] =	ssyncset.done $0x0  }
0xe5: {  	[sflag:s1] =	ssyncadd.s32 $0xFFFFE000  }
0xe6: {  	_ =	swait.ge [sflag:s1], $0x1200  }
0xe7: {  	[sflag:s1] =	ssyncset.done $0x0  }
0xe8: {  	s10 =	simm.s32 @!p0 $0x7;
	[sflag:s1] =	ssyncadd.s32 $0xFFFFEE00  }
0xe9: {  	_ =	swait.ge @!p0 [sflag:s10], $0x3200  }
0xea: {  	[sflag:s10] =	ssyncset.done @!p0 $0x0  }
0xeb: {  	s13 =	simm.s32 $0xC900;
	[sflag:s10] =	ssyncadd.s32 @!p0 $0xFFFFCE00  }
0xec: {  	v0 =	vld [tilespmem:s13+$0xC0]  }
0xed: {  	v1 =	vld [tilespmem:s13+$0xFFFFFF40]  }
0xee: {  	v2 =	vld [tilespmem:s13+$0xFFFFFF80]  }
0xef: {  	v3 =	vld [tilespmem:s13+$0xFFFFFFC0]  }
0xf0: {  	v4 =	vld [tilespmem:s13+$0x0]  }
0xf1: {  	v5 =	vld [tilespmem:s13+$0x40];
	v0 =	vmul.f32 $8.000000000e+00, v0  }
0xf2: {  	s23 =	simm.s32 $0x19100;
	v6 =	vld [tilespmem:s13+$0x80];
	v1 =	vmul.f32 $8.000000000e+00, v1  }
0xf3: {  	v7 =	vld [tilespmem:s13+$0xFFFFFF00];
	v2 =	vmul.f32 $8.000000000e+00, v2;
	[tilespmem:s23+$0xC0] =	vst v0  }
0xf4: {  	[tilespmem:s23+$0xFFFFFF40] =	vst v1;
	v0 =	vmul.f32 $8.000000000e+00, v3;
	v1 =	vld [tilespmem:s13+$0xD0]  }
0xf5: {  	[tilespmem:s23+$0xFFFFFF80] =	vst v2;
	v2 =	vmul.f32 $8.000000000e+00, v4;
	v3 =	vld [tilespmem:s13+$0xFFFFFF50]  }
0xf6: {  	v4 =	vld [tilespmem:s13+$0xFFFFFF90];
	[tilespmem:s23+$0xFFFFFFC0] =	vst v0;
	v0 =	vmul.f32 $8.000000000e+00, v5  }
0xf7: {  	[tilespmem:s23+$0x0] =	vst v2;
	v2 =	vmul.f32 $8.000000000e+00, v6;
	v5 =	vld [tilespmem:s13+$0xFFFFFFD0]  }
0xf8: {  	v6 =	vmul.f32 $8.000000000e+00, v7;
	v7 =	vld [tilespmem:s13+$0x10];
	[tilespmem:s23+$0x40] =	vst v0  }
0xf9: {  	[tilespmem:s23+$0x80] =	vst v2;
	v0 =	vld [tilespmem:s13+$0x50];
	v1 =	vmul.f32 $8.000000000e+00, v1  }
0xfa: {  	[tilespmem:s23+$0xFFFFFF00] =	vst v6;
	v2 =	vmul.f32 $8.000000000e+00, v3;
	v3 =	vld [tilespmem:s13+$0x90]  }
0xfb: {  	v6 =	vld [tilespmem:s13+$0xFFFFFF10];
	v4 =	vmul.f32 $8.000000000e+00, v4;
	[tilespmem:s23+$0xD0] =	vst v1  }
0xfc: {  	[tilespmem:s23+$0xFFFFFF50] =	vst v2;
	v1 =	vmul.f32 $8.000000000e+00, v5;
	v2 =	vld [tilespmem:s13+$0xE0]  }
0xfd: {  	[tilespmem:s23+$0xFFFFFF90] =	vst v4;
	v4 =	vmul.f32 $8.000000000e+00, v7;
	v5 =	vld [tilespmem:s13+$0xFFFFFF60]  }
0xfe: {  	v7 =	vld [tilespmem:s13+$0xFFFFFFA0];
	[tilespmem:s23+$0xFFFFFFD0] =	vst v1;
	v0 =	vmul.f32 $8.000000000e+00, v0  }
0xff: {  	[tilespmem:s23+$0x10] =	vst v4;
	v1 =	vld [tilespmem:s13+$0xFFFFFFE0];
	v3 =	vmul.f32 $8.000000000e+00, v3  }
0x100: {  	v4 =	vmul.f32 $8.000000000e+00, v6;
	v6 =	vld [tilespmem:s13+$0x20];
	[tilespmem:s23+$0x50] =	vst v0  }
0x101: {  	v0 =	vld [tilespmem:s13+$0x60];
	[tilespmem:s23+$0x90] =	vst v3;
	v2 =	vmul.f32 $8.000000000e+00, v2  }
0x102: {  	[tilespmem:s23+$0xFFFFFF10] =	vst v4;
	v3 =	vmul.f32 $8.000000000e+00, v5;
	v4 =	vld [tilespmem:s13+$0xA0]  }
0x103: {  	v5 =	vld [tilespmem:s13+$0xFFFFFF20];
	v7 =	vmul.f32 $8.000000000e+00, v7;
	[tilespmem:s23+$0xE0] =	vst v2  }
0x104: {  	[tilespmem:s23+$0xFFFFFF60] =	vst v3;
	v1 =	vmul.f32 $8.000000000e+00, v1;
	v3 =	vld [tilespmem:s13+$0xF0]  }
0x105: {  	[tilespmem:s23+$0xFFFFFFA0] =	vst v7;
	v2 =	vmul.f32 $8.000000000e+00, v6;
	v8 =	vld [tilespmem:s13+$0xFFFFFF70]  }
0x106: {  	v7 =	vld [tilespmem:s13+$0xFFFFFFB0];
	[tilespmem:s23+$0xFFFFFFE0] =	vst v1;
	v1 =	vmul.f32 $8.000000000e+00, v0  }
0x107: {  	[tilespmem:s23+$0x20] =	vst v2;
	v0 =	vld [tilespmem:s13+$0xFFFFFFF0];
	v4 =	vmul.f32 $8.000000000e+00, v4  }
0x108: {  	v5 =	vmul.f32 $8.000000000e+00, v5;
	v2 =	vld [tilespmem:s13+$0x30];
	[tilespmem:s23+$0x60] =	vst v1  }
0x109: {  	v1 =	vld [tilespmem:s13+$0x70];
	[tilespmem:s23+$0xA0] =	vst v4;
	v9 =	vmul.f32 $8.000000000e+00, v3  }
0x10a: {  	[tilespmem:s23+$0xFFFFFF20] =	vst v5;
	v3 =	vld [tilespmem:s13+$0xB0];
	v6 =	vmul.f32 $8.000000000e+00, v8  }
0x10b: {  	s25 =	sor.u32 $0x2, s22;
	s10 =	simm.s32 $0x0;
	v4 =	vld [tilespmem:s13+$0xFFFFFF30];
	v5 =	vmul.f32 $8.000000000e+00, v7;
	s13 =	simm.s32 $0xCB00;
	[tilespmem:s23+$0xF0] =	vst v9  }
.LBB2_7:
0x10c: {  	v7 =	vld [tilespmem:s13+$0xC0];
	s10 =	sadd.s32 $0x8, s10;
	[tilespmem:s23+$0xFFFFFF70] =	vst v6;
	v0 =	vmul.f32 $8.000000000e+00, v0  }
0x10d: {  	v6 =	vld [tilespmem:s13+$0xFFFFFF40];
	p2 =	slt.u32 s10, $0xC0;
	[tilespmem:s23+$0xFFFFFFB0] =	vst v5;
	v2 =	vmul.f32 $8.000000000e+00, v2  }
0x10e: {  	v5 =	vld [tilespmem:s13+$0xFFFFFF80];
	[tilespmem:s23+$0xFFFFFFF0] =	vst v0;
	v0 =	vmul.f32 $8.000000000e+00, v1  }
0x10f: {  	v1 =	vld [tilespmem:s13+$0xFFFFFFC0];
	[tilespmem:s23+$0x30] =	vst v2;
	v2 =	vmul.f32 $8.000000000e+00, v3  }
0x110: {  	v3 =	vld [tilespmem:s13+$0x0];
	v4 =	vmul.f32 $8.000000000e+00, v4;
	[tilespmem:s23+$0x70] =	vst v0  }
0x111: {  	v0 =	vld [tilespmem:s13+$0x40];
	v7 =	vmul.f32 $8.000000000e+00, v7;
	[tilespmem:s23+$0xB0] =	vst v2  }
0x112: {  	v2 =	vmul.f32 $8.000000000e+00, v6;
	v6 =	vld [tilespmem:s13+$0x80];
	[tilespmem:s23+$0xFFFFFF30] =	vst v4;
	s23 =	sadd.s32 $0x200, s23  }
0x113: {  	v4 =	vld [tilespmem:s13+$0xFFFFFF00];
	v5 =	vmul.f32 $8.000000000e+00, v5;
	[tilespmem:s23+$0xC0] =	vst v7  }
0x114: {  	[tilespmem:s23+$0xFFFFFF40] =	vst v2;
	v1 =	vmul.f32 $8.000000000e+00, v1;
	v2 =	vld [tilespmem:s13+$0xD0]  }
0x115: {  	v7 =	vld [tilespmem:s13+$0xFFFFFF50];
	[tilespmem:s23+$0xFFFFFF80] =	vst v5;
	v3 =	vmul.f32 $8.000000000e+00, v3  }
0x116: {  	v5 =	vld [tilespmem:s13+$0xFFFFFF90];
	[tilespmem:s23+$0xFFFFFFC0] =	vst v1;
	v0 =	vmul.f32 $8.000000000e+00, v0  }
0x117: {  	v1 =	vld [tilespmem:s13+$0xFFFFFFD0];
	[tilespmem:s23+$0x0] =	vst v3;
	v3 =	vmul.f32 $8.000000000e+00, v6  }
0x118: {  	v4 =	vmul.f32 $8.000000000e+00, v4;
	v6 =	vld [tilespmem:s13+$0x10];
	[tilespmem:s23+$0x40] =	vst v0  }
0x119: {  	v0 =	vld [tilespmem:s13+$0x50];
	[tilespmem:s23+$0x80] =	vst v3;
	v2 =	vmul.f32 $8.000000000e+00, v2  }
0x11a: {  	[tilespmem:s23+$0xFFFFFF00] =	vst v4;
	v3 =	vmul.f32 $8.000000000e+00, v7;
	v4 =	vld [tilespmem:s13+$0x90]  }
0x11b: {  	v7 =	vld [tilespmem:s13+$0xFFFFFF10];
	v5 =	vmul.f32 $8.000000000e+00, v5;
	[tilespmem:s23+$0xD0] =	vst v2  }
0x11c: {  	[tilespmem:s23+$0xFFFFFF50] =	vst v3;
	v1 =	vmul.f32 $8.000000000e+00, v1;
	v2 =	vld [tilespmem:s13+$0xE0]  }
0x11d: {  	v3 =	vld [tilespmem:s13+$0xFFFFFF60];
	[tilespmem:s23+$0xFFFFFF90] =	vst v5;
	v5 =	vmul.f32 $8.000000000e+00, v6  }
0x11e: {  	v6 =	vld [tilespmem:s13+$0xFFFFFFA0];
	[tilespmem:s23+$0xFFFFFFD0] =	vst v1;
	v0 =	vmul.f32 $8.000000000e+00, v0  }
0x11f: {  	v1 =	vld [tilespmem:s13+$0xFFFFFFE0];
	[tilespmem:s23+$0x10] =	vst v5;
	v4 =	vmul.f32 $8.000000000e+00, v4  }
0x120: {  	v5 =	vmul.f32 $8.000000000e+00, v7;
	v7 =	vld [tilespmem:s13+$0x20];
	[tilespmem:s23+$0x50] =	vst v0  }
0x121: {  	v0 =	vld [tilespmem:s13+$0x60];
	[tilespmem:s23+$0x90] =	vst v4;
	v2 =	vmul.f32 $8.000000000e+00, v2  }
0x122: {  	[tilespmem:s23+$0xFFFFFF10] =	vst v5;
	v3 =	vmul.f32 $8.000000000e+00, v3;
	v4 =	vld [tilespmem:s13+$0xA0]  }
0x123: {  	v5 =	vld [tilespmem:s13+$0xFFFFFF20];
	v6 =	vmul.f32 $8.000000000e+00, v6;
	[tilespmem:s23+$0xE0] =	vst v2  }
0x124: {  	[tilespmem:s23+$0xFFFFFF60] =	vst v3;
	v1 =	vmul.f32 $8.000000000e+00, v1;
	v3 =	vld [tilespmem:s13+$0xF0]  }
0x125: {  	v8 =	vld [tilespmem:s13+$0xFFFFFF70];
	[tilespmem:s23+$0xFFFFFFA0] =	vst v6;
	v2 =	vmul.f32 $8.000000000e+00, v7  }
0x126: {  	v7 =	vld [tilespmem:s13+$0xFFFFFFB0];
	[tilespmem:s23+$0xFFFFFFE0] =	vst v1;
	v1 =	vmul.f32 $8.000000000e+00, v0  }
.Ltmp4:
0x127: {  	v0 =	vld [tilespmem:s13+$0xFFFFFFF0];
	[tilespmem:s23+$0x20] =	vst v2;
	v4 =	vmul.f32 $8.000000000e+00, v4;
	(pc) =	sbr.rel @p2 .LBB2_7-.Ltmp4, $4  }
0x128: {  	v5 =	vmul.f32 $8.000000000e+00, v5;
	v2 =	vld [tilespmem:s13+$0x30];
	[tilespmem:s23+$0x60] =	vst v1  }
0x129: {  	v1 =	vld [tilespmem:s13+$0x70];
	[tilespmem:s23+$0xA0] =	vst v4;
	v9 =	vmul.f32 $8.000000000e+00, v3  }
0x12a: {  	[tilespmem:s23+$0xFFFFFF20] =	vst v5;
	v6 =	vmul.f32 $8.000000000e+00, v8;
	v3 =	vld [tilespmem:s13+$0xB0]  }
0x12b: {  	v4 =	vld [tilespmem:s13+$0xFFFFFF30];
	v5 =	vmul.f32 $8.000000000e+00, v7;
	[tilespmem:s23+$0xF0] =	vst v9;
	s13 =	sadd.s32 $0x200, s13  }
0x12c: {  	[tilespmem:s23+$0xFFFFFF70] =	vst v6;
	v0 =	vmul.f32 $8.000000000e+00, v0  }
0x12d: {  	[tilespmem:s23+$0xFFFFFFB0] =	vst v5;
	v2 =	vmul.f32 $8.000000000e+00, v2  }
0x12e: {  	[tilespmem:s23+$0xFFFFFFF0] =	vst v0;
	v0 =	vmul.f32 $8.000000000e+00, v1  }
0x12f: {  	s10 =	sadd.s32 s3, s25;
	[tilespmem:s23+$0x30] =	vst v2;
	v1 =	vmul.f32 $8.000000000e+00, v3  }
0x130: {  	s10 =	smul.u32 $0x640, s10;
	v2 =	vmul.f32 $8.000000000e+00, v4;
	[tilespmem:s23+$0x70] =	vst v0  }
0x131: {  	[tilespmem:s23+$0xB0] =	vst v1  }
0x132: {  	s10 =	sadd.s32 s2, s10;
	[tilespmem:s23+$0xFFFFFF30] =	vst v2  }
0x133: {  	[hbm4b:s10+s4] =	stream.linear.scatter [tilespmem:s0], [sflag:$0x7], $0x3200, $0x38;
	[tilespmem:$0x1F400] =	vst v63  }
0x134: {  	s10 =	sadd.s32 @!p1 $0x6, s22  }
0x135: {  	s25 =	simm.s32 @!p1 $0xC800;
	s13 =	sshll.u32 @!p1 s10, $0x7  }
0x136: {  	s23 =	simm.s32 @!p1 $0x80;
	s10 =	smul.u32 @!p1 $0x120, s10;
	s13 =	sand.u32 @!p1 $0x3FFFFF80, s13  }
0x137: {  	[tilespmem:s25], [sflag:$0x3] =	stream.indirect.gather @!p1 [hbm4b:s5+s23], $0x40, s13, s23, $0xb8;
	[tilespmem:$0x1F400] =	vst v63  }
0x138: {  	s10 =	sshra.s32 @!p1 s10, $0x2  }
0x139: {  	s13 =	simm.s32 @!p1 $0x48;
	s23 =	simm.s32 @!p1 $0xE800;
	s10 =	sadd.s32 @!p1 $0x4000, s10  }
0x13a: {  	[tilespmem:s23], [sflag:$0x3] =	stream.indirect.gather @!p1 [hbm4b:s5+s13], $0x40, s10, s13, $0xb8;
	[tilespmem:$0x1F400] =	vst v63  }
0x13b: {  	_ =	swait.ge [sflag:s14], $0x2000  }
0x13c: {  	[sflag:s14] =	ssyncset.done $0x0  }
0x13d: {  	[sflag:s14] =	ssyncadd.s32 $0xFFFFE000  }
0x13e: {  	_ =	swait.ge [sflag:s14], $0x1200  }
0x13f: {  	[sflag:s14] =	ssyncset.done $0x0  }
0x140: {  	s10 =	simm.s32 @!p0 $0x8;
	[sflag:s14] =	ssyncadd.s32 $0xFFFFEE00  }
0x141: {  	_ =	swait.ge @!p0 [sflag:s10], $0x3200  }
0x142: {  	[sflag:s10] =	ssyncset.done @!p0 $0x0  }
0x143: {  	s13 =	simm.s32 $0xFB00;
	[sflag:s10] =	ssyncadd.s32 @!p0 $0xFFFFCE00  }
0x144: {  	v0 =	vld [tilespmem:s13+$0xC0]  }
0x145: {  	v1 =	vld [tilespmem:s13+$0xFFFFFF40]  }
0x146: {  	v2 =	vld [tilespmem:s13+$0xFFFFFF80]  }
0x147: {  	v3 =	vld [tilespmem:s13+$0xFFFFFFC0]  }
0x148: {  	v4 =	vld [tilespmem:s13+$0x0]  }
0x149: {  	v5 =	vld [tilespmem:s13+$0x40];
	v0 =	vmul.f32 $8.000000000e+00, v0  }
0x14a: {  	s23 =	simm.s32 $0x1C300;
	v6 =	vld [tilespmem:s13+$0x80];
	v1 =	vmul.f32 $8.000000000e+00, v1  }
0x14b: {  	v7 =	vld [tilespmem:s13+$0xFFFFFF00];
	v2 =	vmul.f32 $8.000000000e+00, v2;
	[tilespmem:s23+$0xC0] =	vst v0  }
0x14c: {  	[tilespmem:s23+$0xFFFFFF40] =	vst v1;
	v0 =	vmul.f32 $8.000000000e+00, v3;
	v1 =	vld [tilespmem:s13+$0xD0]  }
0x14d: {  	[tilespmem:s23+$0xFFFFFF80] =	vst v2;
	v2 =	vmul.f32 $8.000000000e+00, v4;
	v3 =	vld [tilespmem:s13+$0xFFFFFF50]  }
0x14e: {  	v4 =	vld [tilespmem:s13+$0xFFFFFF90];
	[tilespmem:s23+$0xFFFFFFC0] =	vst v0;
	v0 =	vmul.f32 $8.000000000e+00, v5  }
0x14f: {  	[tilespmem:s23+$0x0] =	vst v2;
	v2 =	vmul.f32 $8.000000000e+00, v6;
	v5 =	vld [tilespmem:s13+$0xFFFFFFD0]  }
0x150: {  	v6 =	vmul.f32 $8.000000000e+00, v7;
	v7 =	vld [tilespmem:s13+$0x10];
	[tilespmem:s23+$0x40] =	vst v0  }
0x151: {  	[tilespmem:s23+$0x80] =	vst v2;
	v0 =	vld [tilespmem:s13+$0x50];
	v1 =	vmul.f32 $8.000000000e+00, v1  }
0x152: {  	[tilespmem:s23+$0xFFFFFF00] =	vst v6;
	v2 =	vmul.f32 $8.000000000e+00, v3;
	v3 =	vld [tilespmem:s13+$0x90]  }
0x153: {  	v6 =	vld [tilespmem:s13+$0xFFFFFF10];
	v4 =	vmul.f32 $8.000000000e+00, v4;
	[tilespmem:s23+$0xD0] =	vst v1  }
0x154: {  	[tilespmem:s23+$0xFFFFFF50] =	vst v2;
	v1 =	vmul.f32 $8.000000000e+00, v5;
	v2 =	vld [tilespmem:s13+$0xE0]  }
0x155: {  	[tilespmem:s23+$0xFFFFFF90] =	vst v4;
	v4 =	vmul.f32 $8.000000000e+00, v7;
	v5 =	vld [tilespmem:s13+$0xFFFFFF60]  }
0x156: {  	v7 =	vld [tilespmem:s13+$0xFFFFFFA0];
	[tilespmem:s23+$0xFFFFFFD0] =	vst v1;
	v0 =	vmul.f32 $8.000000000e+00, v0  }
0x157: {  	[tilespmem:s23+$0x10] =	vst v4;
	v1 =	vld [tilespmem:s13+$0xFFFFFFE0];
	v3 =	vmul.f32 $8.000000000e+00, v3  }
0x158: {  	v4 =	vmul.f32 $8.000000000e+00, v6;
	v6 =	vld [tilespmem:s13+$0x20];
	[tilespmem:s23+$0x50] =	vst v0  }
0x159: {  	v0 =	vld [tilespmem:s13+$0x60];
	[tilespmem:s23+$0x90] =	vst v3;
	v2 =	vmul.f32 $8.000000000e+00, v2  }
0x15a: {  	[tilespmem:s23+$0xFFFFFF10] =	vst v4;
	v3 =	vmul.f32 $8.000000000e+00, v5;
	v4 =	vld [tilespmem:s13+$0xA0]  }
0x15b: {  	v5 =	vld [tilespmem:s13+$0xFFFFFF20];
	v7 =	vmul.f32 $8.000000000e+00, v7;
	[tilespmem:s23+$0xE0] =	vst v2  }
0x15c: {  	[tilespmem:s23+$0xFFFFFF60] =	vst v3;
	v1 =	vmul.f32 $8.000000000e+00, v1;
	v3 =	vld [tilespmem:s13+$0xF0]  }
0x15d: {  	[tilespmem:s23+$0xFFFFFFA0] =	vst v7;
	v2 =	vmul.f32 $8.000000000e+00, v6;
	v8 =	vld [tilespmem:s13+$0xFFFFFF70]  }
0x15e: {  	v7 =	vld [tilespmem:s13+$0xFFFFFFB0];
	[tilespmem:s23+$0xFFFFFFE0] =	vst v1;
	v1 =	vmul.f32 $8.000000000e+00, v0  }
0x15f: {  	[tilespmem:s23+$0x20] =	vst v2;
	v0 =	vld [tilespmem:s13+$0xFFFFFFF0];
	v4 =	vmul.f32 $8.000000000e+00, v4  }
0x160: {  	v5 =	vmul.f32 $8.000000000e+00, v5;
	v2 =	vld [tilespmem:s13+$0x30];
	[tilespmem:s23+$0x60] =	vst v1  }
0x161: {  	v1 =	vld [tilespmem:s13+$0x70];
	[tilespmem:s23+$0xA0] =	vst v4;
	v9 =	vmul.f32 $8.000000000e+00, v3  }
0x162: {  	[tilespmem:s23+$0xFFFFFF20] =	vst v5;
	v3 =	vld [tilespmem:s13+$0xB0];
	v6 =	vmul.f32 $8.000000000e+00, v8  }
0x163: {  	s25 =	sor.u32 $0x3, s22;
	s10 =	simm.s32 $0x0;
	v4 =	vld [tilespmem:s13+$0xFFFFFF30];
	v5 =	vmul.f32 $8.000000000e+00, v7;
	s13 =	simm.s32 $0xFD00;
	[tilespmem:s23+$0xF0] =	vst v9  }
.LBB2_9:
0x164: {  	v7 =	vld [tilespmem:s13+$0xC0];
	s10 =	sadd.s32 $0x8, s10;
	[tilespmem:s23+$0xFFFFFF70] =	vst v6;
	v0 =	vmul.f32 $8.000000000e+00, v0  }
0x165: {  	v6 =	vld [tilespmem:s13+$0xFFFFFF40];
	p0 =	slt.u32 s10, $0xC0;
	[tilespmem:s23+$0xFFFFFFB0] =	vst v5;
	v2 =	vmul.f32 $8.000000000e+00, v2  }
0x166: {  	v5 =	vld [tilespmem:s13+$0xFFFFFF80];
	[tilespmem:s23+$0xFFFFFFF0] =	vst v0;
	v0 =	vmul.f32 $8.000000000e+00, v1  }
0x167: {  	v1 =	vld [tilespmem:s13+$0xFFFFFFC0];
	[tilespmem:s23+$0x30] =	vst v2;
	v2 =	vmul.f32 $8.000000000e+00, v3  }
0x168: {  	v3 =	vld [tilespmem:s13+$0x0];
	v4 =	vmul.f32 $8.000000000e+00, v4;
	[tilespmem:s23+$0x70] =	vst v0  }
0x169: {  	v0 =	vld [tilespmem:s13+$0x40];
	v7 =	vmul.f32 $8.000000000e+00, v7;
	[tilespmem:s23+$0xB0] =	vst v2  }
0x16a: {  	v2 =	vmul.f32 $8.000000000e+00, v6;
	v6 =	vld [tilespmem:s13+$0x80];
	[tilespmem:s23+$0xFFFFFF30] =	vst v4;
	s23 =	sadd.s32 $0x200, s23  }
0x16b: {  	v4 =	vld [tilespmem:s13+$0xFFFFFF00];
	v5 =	vmul.f32 $8.000000000e+00, v5;
	[tilespmem:s23+$0xC0] =	vst v7  }
0x16c: {  	[tilespmem:s23+$0xFFFFFF40] =	vst v2;
	v1 =	vmul.f32 $8.000000000e+00, v1;
	v2 =	vld [tilespmem:s13+$0xD0]  }
0x16d: {  	v7 =	vld [tilespmem:s13+$0xFFFFFF50];
	[tilespmem:s23+$0xFFFFFF80] =	vst v5;
	v3 =	vmul.f32 $8.000000000e+00, v3  }
0x16e: {  	v5 =	vld [tilespmem:s13+$0xFFFFFF90];
	[tilespmem:s23+$0xFFFFFFC0] =	vst v1;
	v0 =	vmul.f32 $8.000000000e+00, v0  }
0x16f: {  	v1 =	vld [tilespmem:s13+$0xFFFFFFD0];
	[tilespmem:s23+$0x0] =	vst v3;
	v3 =	vmul.f32 $8.000000000e+00, v6  }
0x170: {  	v4 =	vmul.f32 $8.000000000e+00, v4;
	v6 =	vld [tilespmem:s13+$0x10];
	[tilespmem:s23+$0x40] =	vst v0  }
0x171: {  	v0 =	vld [tilespmem:s13+$0x50];
	[tilespmem:s23+$0x80] =	vst v3;
	v2 =	vmul.f32 $8.000000000e+00, v2  }
0x172: {  	[tilespmem:s23+$0xFFFFFF00] =	vst v4;
	v3 =	vmul.f32 $8.000000000e+00, v7;
	v4 =	vld [tilespmem:s13+$0x90]  }
0x173: {  	v7 =	vld [tilespmem:s13+$0xFFFFFF10];
	v5 =	vmul.f32 $8.000000000e+00, v5;
	[tilespmem:s23+$0xD0] =	vst v2  }
0x174: {  	[tilespmem:s23+$0xFFFFFF50] =	vst v3;
	v1 =	vmul.f32 $8.000000000e+00, v1;
	v2 =	vld [tilespmem:s13+$0xE0]  }
0x175: {  	v3 =	vld [tilespmem:s13+$0xFFFFFF60];
	[tilespmem:s23+$0xFFFFFF90] =	vst v5;
	v5 =	vmul.f32 $8.000000000e+00, v6  }
0x176: {  	v6 =	vld [tilespmem:s13+$0xFFFFFFA0];
	[tilespmem:s23+$0xFFFFFFD0] =	vst v1;
	v0 =	vmul.f32 $8.000000000e+00, v0  }
0x177: {  	v1 =	vld [tilespmem:s13+$0xFFFFFFE0];
	[tilespmem:s23+$0x10] =	vst v5;
	v4 =	vmul.f32 $8.000000000e+00, v4  }
0x178: {  	v5 =	vmul.f32 $8.000000000e+00, v7;
	v7 =	vld [tilespmem:s13+$0x20];
	[tilespmem:s23+$0x50] =	vst v0  }
0x179: {  	v0 =	vld [tilespmem:s13+$0x60];
	[tilespmem:s23+$0x90] =	vst v4;
	v2 =	vmul.f32 $8.000000000e+00, v2  }
0x17a: {  	[tilespmem:s23+$0xFFFFFF10] =	vst v5;
	v3 =	vmul.f32 $8.000000000e+00, v3;
	v4 =	vld [tilespmem:s13+$0xA0]  }
0x17b: {  	v5 =	vld [tilespmem:s13+$0xFFFFFF20];
	v6 =	vmul.f32 $8.000000000e+00, v6;
	[tilespmem:s23+$0xE0] =	vst v2  }
0x17c: {  	[tilespmem:s23+$0xFFFFFF60] =	vst v3;
	v1 =	vmul.f32 $8.000000000e+00, v1;
	v3 =	vld [tilespmem:s13+$0xF0]  }
0x17d: {  	v8 =	vld [tilespmem:s13+$0xFFFFFF70];
	[tilespmem:s23+$0xFFFFFFA0] =	vst v6;
	v2 =	vmul.f32 $8.000000000e+00, v7  }
0x17e: {  	v7 =	vld [tilespmem:s13+$0xFFFFFFB0];
	[tilespmem:s23+$0xFFFFFFE0] =	vst v1;
	v1 =	vmul.f32 $8.000000000e+00, v0  }
.Ltmp5:
0x17f: {  	v0 =	vld [tilespmem:s13+$0xFFFFFFF0];
	[tilespmem:s23+$0x20] =	vst v2;
	v4 =	vmul.f32 $8.000000000e+00, v4;
	(pc) =	sbr.rel @p0 .LBB2_9-.Ltmp5, $4  }
0x180: {  	v5 =	vmul.f32 $8.000000000e+00, v5;
	v2 =	vld [tilespmem:s13+$0x30];
	[tilespmem:s23+$0x60] =	vst v1  }
0x181: {  	v1 =	vld [tilespmem:s13+$0x70];
	[tilespmem:s23+$0xA0] =	vst v4;
	v9 =	vmul.f32 $8.000000000e+00, v3  }
0x182: {  	[tilespmem:s23+$0xFFFFFF20] =	vst v5;
	v6 =	vmul.f32 $8.000000000e+00, v8;
	v3 =	vld [tilespmem:s13+$0xB0]  }
0x183: {  	v4 =	vld [tilespmem:s13+$0xFFFFFF30];
	v5 =	vmul.f32 $8.000000000e+00, v7;
	[tilespmem:s23+$0xF0] =	vst v9;
	s13 =	sadd.s32 $0x200, s13  }
0x184: {  	[tilespmem:s23+$0xFFFFFF70] =	vst v6;
	v0 =	vmul.f32 $8.000000000e+00, v0  }
0x185: {  	[tilespmem:s23+$0xFFFFFFB0] =	vst v5;
	v2 =	vmul.f32 $8.000000000e+00, v2  }
0x186: {  	[tilespmem:s23+$0xFFFFFFF0] =	vst v0;
	v61 =	vmul.f32 $8.000000000e+00, v1  }
.Ltmp6:
0x187: {  	s10 =	sadd.s32 s3, s25;
	[tilespmem:s23+$0x30] =	vst v2;
	v62 =	vmul.f32 $8.000000000e+00, v3;
	(pc) =	sbr.rel @p1 .LBB2_12-.Ltmp6, $4  }
0x188: {  	s10 =	smul.u32 $0x640, s10;
	v63 =	vmul.f32 $8.000000000e+00, v4;
	[tilespmem:s23+$0x70] =	vst v61  }
0x189: {  	[tilespmem:s23+$0xB0] =	vst v62  }
0x18a: {  	s10 =	sadd.s32 s2, s10;
	[tilespmem:s23+$0xFFFFFF30] =	vst v63  }
0x18b: {  	[hbm4b:s10+s4] =	stream.linear.scatter [tilespmem:s15], [sflag:$0x8], $0x3200, $0x38;
	[tilespmem:$0x1F400] =	vst v63  }
0x18c: {  	s10 =	sadd.s32 $0x7, s22  }
0x18d: {  	s13 =	sshll.u32 s10, $0x7;
	s10 =	smul.u32 $0x120, s10  }
.Ltmp7:
0x18e: {  	s13 =	sand.u32 $0x3FFFFF80, s13;
	(pc) =	sbr.rel .LBB2_2-.Ltmp7, $4  }
0x18f: {  	[tilespmem:s24], [sflag:$0x4] =	stream.indirect.gather [hbm4b:s5+s9], $0x40, s13, s9, $0xb8;
	[tilespmem:$0x1F400] =	vst v63  }
0x190: {  	s10 =	sshra.s32 s10, $0x2  }
0x191: {  	s21 =	sadd.s32 $0x1, s21;
	s10 =	sadd.s32 $0x4000, s10  }
0x192: {  	[tilespmem:s26], [sflag:$0x4] =	stream.indirect.gather [hbm4b:s5+s12], $0x40, s10, s12, $0xb8;
	[tilespmem:$0x1F400] =	vst v63  }
.LBB2_13:
0x193: {  	_ =	sfence.sel $0x180000  }
0x194: {  	[bflag:$0x0] =	sbarrier.arrive $0xFFFF  }
0x195: {  	_ =	strace $0x90000047  }
0x196: {  	s0 =	stileid.u32;
	[bflag:$0x2] =	sbarrier.arrive $0xFFFF  }
0x197: {  	p0 =	sne.s32 s0, $0x0;
	s0 =	rddreg [dreg:$0x2]  }
0x198: {  	s0 =	sadd.s32 @!p0 $0x100000, s0  }
0x199: {  	[sflag:s0] =	ssyncadd.tile.s32 @!p0 $0x1;
	_ =	shalt  }
.Lfunc_end2:
_tile_overlayer_lowered:
.L_overlay_start_2:
0x19a: {  	(tag) =	ssettag $0x2  }
0x19b: {  	s0 =	rddreg [dreg:$0x0];
	s2 =	stileid.u32  }
0x19c: {  	s1 =	rddreg [dreg:$0x1];
	p0 =	sne.s32 s2, $0x0  }
0x19d: {  	s3 =	rddreg [dreg:$0x2];
	[bflag:$0x3] =	sbarrier.arrive $0xFFFF;
	s2 =	simm.s32 @!p0 $0x1C09  }
0x19e: {  	[timem:s3], [sflag:s2] =	dma.local @!p0 [hbm:s0], s1  }
0x19f: {  	s0 =	simm.s32 @!p0 $0x9  }
0x1a0: {  	_ =	swait.ge @!p0 [sflag:s0], s1  }
0x1a1: {  	s1 =	ssub.s32 @!p0 $0x0, s1;
	[sflag:s0] =	ssyncset.done @!p0 $0x0  }
0x1a2: {  	[sflag:s0] =	ssyncadd.s32 @!p0 s1  }
0x1a3: {  	[bflag:$0x3] =	sbarrier.arrive $0xFFFF  }
0x1a4: {  	_ =	shalt  }

// kernel: sparse-core-data-format-call.cloned.1.call-start
scs
called_computation_lowered:
.L_overlay_start_0:
0x0: {  	s2 =	sld [smem:$0x3FD9]  }
0x1: {  	s3 =	sld [smem:$0x3FFE];
	_ =	sdelay $0x1  }
0x2: {  	s1 =	srdreg.scid  }
0x3: {  	s0 =	sand.u32 $0x1, s1  }
0x4: {  	s18 =	sshll.u32 s0, $0xA;
	s2 =	sadd.s32 s3, s2  }
0x5: {  	s2 =	sadd.s32 s2, s18  }
0x6: {  	[smem:$0x3FC6] =	sst s2  }
0x7: {  	_ = 	snop  }
0x8: {  	s2 =	sld [smem:$0x3FD0];
	(tm) =	ssettm $0x1  }
0x9: {  	s19 =	sld [smem:$0x3FFB];
	_ =	sdelay $0x3  }
0xa: {  	_ =	strace s19  }
0xb: {  	s3 =	sld [smem:$0x3FFC];
	_ =	sdelay $0x3  }
0xc: {  	_ =	strace s3  }
0xd: {  	s3 =	sld [smem:$0x3FFD];
	_ =	sdelay $0x3  }
0xe: {  	_ =	strace s3  }
0xf: {  	_ =	strace $0x8FFFFFFF  }
0x10: {  	s20 =	sld [smem:$0x3FDB];
	_ =	sdelay $0x1  }
0x11: {  	s4 =	simm.s32 $_scs_section_size  }
0x12: {  	s5 =	simm.s32 $_size__tile_overlayer_lowered;
	s6 =	simm.s32 $_tile_overlayer_lowered  }
0x13: {  	s23 =	simm.s32 $0x1BFF;
	s22 =	sshll.u32 s6, $0x1;
	s3 =	sadd.s32 s4, s20  }
0x14: {  	s7 =	simm.s32 $0x0;
	s21 =	sshll.u32 s5, $0x1;
	s5 =	sadd.s32 s22, s3  }
0x15: {  	[timem:s7], [sflag:s23] =	dma.local [hbm:s5], s21  }
0x16: {  	_ =	swait.ge [sflag:s23], s21  }
0x17: {  	s4 =	ssub.s32 $0x0, s21;
	[sflag:s23] =	ssyncset.done $0x0  }
0x18: {  	[sflag:s23] =	ssyncadd.s32 s4;
	_ =	sdelay $0x1  }
0x19: {  	s24 =	simm.s32 $0x1B8B  }
0x1a: {  	_ =	swait.ge [sflag:s24], $0x1  }
0x1b: {  	[sflag:s24] =	ssyncset.done $0x0  }
0x1c: {  	s26 =	simm.s32 $0x1B8E;
	s25 =	sld [smem:$0x3FFE];
	[sflag:s24] =	ssyncadd.s32 $0xFFFFFFFF  }
0x1d: {  	s27 =	simm.s32 $execute0_lowered;
	[smem:$0x3FD2] =	sst s26  }
0x1e: {  	s5 =	sshll.u32 s27, $0x1;
	_ =	strace $0x80000049;
	[dreg:$0x1] =	wrdreg $0xFFFFFFFF  }
0x1f: {  	s28 =	simm.s32 $_size_execute0_lowered;
	s3 =	sadd.s32 s3, s5;
	[dreg:$0x0] =	wrdreg $0x0  }
0x20: {  	s5 =	sshll.u32 s28, $0x1;
	[dreg:$0x2] =	wrdreg s3  }
0x21: {  	[dreg:$0x3] =	wrdreg s5  }
0x22: {  	[dreg:$0x4] =	wrdreg $0xC0  }
0x23: {  	_ =	task [dreg:s7], $0x5FFFF  }
0x24: {  	[dreg:$0x1] =	wrdreg $0xFFFFFFFF  }
0x25: {  	[dreg:$0x0] =	wrdreg $0x60  }
0x26: {  	[dreg:$0x2] =	wrdreg s25  }
0x27: {  	[dreg:$0x3] =	wrdreg s2  }
0x28: {  	[dreg:$0x4] =	wrdreg $0x9  }
0x29: {  	_ =	task.clear_ibuf [dreg:s7], $0x5FFFF;
	_ =	strace $0x90000049  }
0x2a: {  	s29 =	simm.s32 $0x9;
	_ =	strace $0x8000004B  }
0x2b: {  	_ =	swait.ge [sflag:s29], $0x1  }
0x2c: {  	[sflag:s29] =	ssyncadd.s32 $0xFFFFFFFF  }
0x2d: {  	_ =	strace $0x9000004B  }
0x2e: {  	_ =	sfence  }
0x2f: {  	s30 =	sld [smem:$0x0];
	_ =	sdelay $0x2  }
0x30: {  	s31 =	sshll.u32 s1, $0xD;
	s1 =	sshrl.u32 s1, $0x2  }
0x31: {  	s3 =	sand.u32 $0x4000, s31;
	s1 =	sadd.s32 s1, s30  }
0x32: {  	s0 =	sor.u32 s3, s0;
	s1 =	sshll.u32 s1, $0x11  }
0x33: {  	s0 =	sor.u32 s1, s0  }
0x34: {  	s0 =	sadd.s32 $0x8F2B, s0  }
0x35: {  	[sflag:s0] =	ssyncadd.remote.s32 $0x1  }
0x36: {  	_ =	sfence.sel $0xFFFF  }
0x37: {  	[dreg:$0x0] =	wrdreg $0xFFFFFFFF;
	(pc) =	sbr.abs _section_cstart, $3  }
0x38: {  	[dreg:$0x1] =	wrdreg $0xFFFFFFFF  }
0x39: {  	_ =	task.clear_ibuf [dreg:s7], $0x2FFFF;
	_ =	strace $0x9FFFFFFF  }
0x3a: {  	(tm) =	ssettm $0x7FFFFFFF  }
0x3b: {  	_ =	shalt  }
tec
execute0_lowered:
.L_overlay_start_1:
0x0: {  	(tag) =	ssettag $0x1  }
0x1: {  	s0 =	srdreg.scid  }
0x2: {  	s1 =	sshll.u32 s0, $0x4  }
0x3: {  	s0 =	stileid.u32;
	s1 =	sand.u32 $0x10, s1  }
0x4: {  	s1 =	sor.u32 s0, s1  }
0x5: {  	s6 =	rddreg [dreg:$0x0];
	s4 =	simm.s32 $0x1;
	s2 =	sshll.u32 s1, $0x7  }
0x6: {  	s7 =	simm.s32 $0x2;
	s12 =	simm.s32 $0x0;
	s1 =	ssub.s32 $0x1000, s2  }
0x7: {  	s8 =	simm.s32 $0x8000;
	s13 =	simm.s32 $0x0;
	s3 =	sand.u32 $0xF80, s1  }
0x8: {  	s9 =	simm.s32 $0x0;
	s5 =	sshrl.u32 s1, $0xC;
	p0 =	sne.s32 s3, $0x0  }
.Ltmp0:
0x9: {  	s1 =	rddreg [dreg:$0x2];
	s4 =	simm.s32 @!p0 $0x0;
	(pc) =	sbr.rel .LBB1_1-.Ltmp0, $4  }
0xa: {  	s11 =	simm.s32 $0x0;
	s3 =	rddreg [dreg:$0x1];
	s5 =	sadd.s32 s4, s5  }
0xb: {  	_ =	strace $0x8000004A;
	s4 =	simm.s32 $0x1;
	s5 =	smul.u32 $0xC8, s5  }
0xc: {  	s6 =	sadd.s32 $0xA00, s6;
	s10 =	smov.u32 s2;
	[sflag:s4] =	ssyncpa.u1 $0x0  }
0xd: {  	p0 =	por $0x0, $0x0;
	[sflag:s7] =	ssyncpa.u1 $0x0;
	s7 =	sor.u32 $0x1, s5  }
.LBB1_4:
0xe: {  	s16 =	sshll.u32 s13, $0x3;
	s17 =	sand.u32 $0x78, s13  }
0xf: {  	s30 =	sand.u32 $0x7E00, s13;
	s12 =	sshll.u32 s12, $0xF;
	s16 =	sand.u32 $0xC00, s16  }
0x10: {  	[tilespmem:s15+$0x810 ss:$0x81] =	vst.msk $0xffff, v2;
	s31 =	sand.u32 $0x7, s13;
	s16 =	sor.u32 s17, s16;
	s17 =	sadd.s32 s3, s30  }
0x11: {  	[tilespmem:s15+$0x1020 ss:$0x81] =	vst.msk $0xffff, v0;
	s13 =	sshll.u32 s31, $0x12;
	s12 =	sadd.s32 s12, s17;
	s16 =	sshrl.u32 s16, $0x3  }
0x12: {  	[tilespmem:s15+$0x0 ss:$0x81] =	vst.msk $0xffff, v1;
	s13 =	sor.u32 $0x400, s13;
	s12 =	sadd.s32 s16, s12  }
0x13: {  	[hbm4b:s12+s13] =	stream.strided.scatter [tilespmem:s14], [sflag:$0x2], $0x2000, s8, s13, $0x20;
	[tilespmem:$0x8080] =	vst v63  }
.LBB1_5:
0x14: {  	s14 =	sadd.s32 $0x1, s9  }
0x15: {  	s12 =	sadd.s32 $0x1000, s10;
	s16 =	smov.u32 s10;
	p2 =	sgt.s32 s14, $0xC7  }
0x16: {  	s16 =	smov.u32 @p2 s12  }
0x17: {  	s14 =	simm.s32 @p2 $0x0;
	p2 =	sgt.s32 s16, $0xFFF  }
0x18: {  	s16 =	smov.u32 @p2 s2;
	p2 =	sne.s32 s11, s7  }
.Ltmp1:
0x19: {  	p1 =	slt.u32 s11, $0x2;
	(pc) =	sbr.rel @!p2 .LBB1_6-.Ltmp1, $4  }
0x1a: {  	s15 =	simm.s32 @!p1 $0x2  }
0x1b: {  	s13 =	smov.u32 s10;
	p0 =	por !p0, !p0;
	_ =	swait.ge @!p1 [sflag:s15], $0x2000  }
0x1c: {  	s12 =	smov.u32 s9;
	[sflag:s15] =	ssyncset.done @!p1 $0x0;
	s9 =	smov.u32 s14  }
0x1d: {  	s11 =	sadd.s32 $0x1, s11;
	[sflag:s15] =	ssyncadd.s32 @!p1 $0xFFFFE000;
	s10 =	smov.u32 s16  }
.LBB1_1:
0x1e: {  	p1 =	sge.u32 s11, s5  }
0x1f: {  	s14 =	sand.u32 @!p1 $0x1FFFFFF, s9  }
0x20: {  	s15 =	smulhi.u32 @!p1 $0x147AE15, s14;
	_ =	sdelay $0x1  }
0x21: {  	s15 =	smul.u32 @!p1 $0xC8, s15  }
0x22: {  	s16 =	sxor.u32 @!p1 $0xFFFFFFFF, s11;
	s17 =	smul.u32 @!p1 $0xC80, s10  }
0x23: {  	s31 =	sadd.s32 $0xFFFFFFFF, s11;
	s16 =	sshll.u32 @!p1 s16, $0xD;
	s14 =	ssub.s32 @!p1 s14, s15  }
0x24: {  	s15 =	sand.u32 @!p1 $0x2000, s16;
	s16 =	sadd.s32 @!p1 s6, s17;
	s14 =	sshll.u32 @!p1 s14, $0x4  }
0x25: {  	s17 =	simm.s32 @!p1 $0x6400;
	s14 =	sadd.s32 @!p1 s14, s16;
	s16 =	simm.s32 @!p1 $0x40  }
0x26: {  	[tilespmem:s15], [sflag:$0x1] =	stream.strided.gather @!p1 [hbm4b:s14+s16], $0x2000, s17, s16, $0x38;
	[tilespmem:$0x8080] =	vst v63  }
0x27: {  	p1 =	sge.u32 s31, s5  }
.Ltmp2:
0x28: {  	_ = 	snop;
	(pc) =	sbr.rel @p1 .LBB1_5-.Ltmp2, $1  }
0x29: {  	_ =	sdelay $0x3  }
0x2a: {  	s14 =	simm.s32 $0x1  }
0x2b: {  	_ =	swait.ge [sflag:s4], $0x2000;
	s14 =	simm.s32 @!p0 $0x0  }
0x2c: {  	[sflag:s4] =	ssyncset.done $0x0;
	s15 =	sshll.u32 s14, $0xD  }
0x2d: {  	[sflag:s4] =	ssyncadd.s32 $0xFFFFE000;
	s18 =	sor.u32 $0x20, s15  }
0x2e: {  	s14 =	smul.u32 $0x8100, s14;
	v3 =	vld [tilespmem:s18+$0x10]  }
0x2f: {  	s30 =	sand.u32 $0x1, s11;
	v2 =	vld [tilespmem:s18+$0xFFFFFFF0]  }
0x30: {  	s15 =	smul.u32 $0x8100, s30;
	s14 =	sshrl.u32 s14, $0x2;
	v0 =	vld [tilespmem:s18+$0x0]  }
0x31: {  	v1 =	vld [tilespmem:s18+$0xFFFFFFE0];
	s16 =	sor.u32 $0x4000, s14  }
0x32: {  	s31 =	sshrl.u32 s15, $0x2;
	s15 =	sadd.s32 $0x0, s16  }
0x33: {  	s17 =	simm.s32 $0x4;
	s18 =	sadd.s32 $0x40, s18;
	s14 =	sor.u32 $0x4000, s31;
	[tilespmem:s15+$0x1830 ss:$0x81] =	vst.msk $0xffff, v3  }
.LBB1_3:
0x34: {  	v3 =	vld [tilespmem:s18+$0x10];
	p1 =	sne.s32 s17, $0x1FC;
	[tilespmem:s15+$0x810 ss:$0x81] =	vst.msk $0xffff, v2;
	s19 =	smov.u32 s17;
	s17 =	sadd.s32 $0x4, s17  }
.Ltmp3:
0x35: {  	v2 =	vld [tilespmem:s18+$0xFFFFFFF0];
	[tilespmem:s15+$0x1020 ss:$0x81] =	vst.msk $0xffff, v0;
	(pc) =	sbr.rel @p1 .LBB1_3-.Ltmp3, $4  }
0x36: {  	v0 =	vld [tilespmem:s18+$0x0];
	[tilespmem:s15+$0x0 ss:$0x81] =	vst.msk $0xffff, v1  }
0x37: {  	s15 =	sshra.s32 s19, $0x2;
	v1 =	vld [tilespmem:s18+$0xFFFFFFE0]  }
0x38: {  	s15 =	sadd.s32 s15, s16  }
0x39: {  	s18 =	sadd.s32 $0x40, s18;
	[tilespmem:s15+$0x1830 ss:$0x81] =	vst.msk $0xffff, v3  }
.Ltmp4:
0x3a: {  	_ = 	snop;
	(pc) =	sbr.rel .LBB1_4-.Ltmp4, $1  }
0x3b: {  	_ =	sdelay $0x3  }
.LBB1_6:
0x3c: {  	_ =	sfence.sel $0x180000  }
0x3d: {  	s2 =	simm.s32 $0x1;
	[bflag:$0x0] =	sbarrier.arrive $0xFFFF  }
0x3e: {  	s31 =	simm.s32 $0x2;
	[sflag:s2] =	ssyncpa.u1 $0x1  }
0x3f: {  	[sflag:s31] =	ssyncpa.u1 $0x1  }
0x40: {  	p0 =	sne.s32 s0, $0x0;
	_ =	strace $0x9000004A  }
0x41: {  	s0 =	sadd.s32 @!p0 $0x100000, s1;
	[bflag:$0x2] =	sbarrier.arrive $0xFFFF  }
0x42: {  	[sflag:s0] =	ssyncadd.tile.s32 @!p0 $0x1;
	_ =	shalt  }
.Lfunc_end1:
_tile_overlayer_lowered:
.L_overlay_start_2:
0x43: {  	(tag) =	ssettag $0x2  }
0x44: {  	s0 =	rddreg [dreg:$0x0];
	s2 =	stileid.u32  }
0x45: {  	s1 =	rddreg [dreg:$0x1];
	p0 =	sne.s32 s2, $0x0  }
0x46: {  	s3 =	rddreg [dreg:$0x2];
	[bflag:$0x3] =	sbarrier.arrive $0xFFFF;
	s2 =	simm.s32 @!p0 $0x1C01  }
0x47: {  	[timem:s3], [sflag:s2] =	dma.local @!p0 [hbm:s0], s1  }
0x48: {  	s0 =	simm.s32 @!p0 $0x1  }
0x49: {  	_ =	swait.ge @!p0 [sflag:s0], s1  }
0x4a: {  	s1 =	ssub.s32 @!p0 $0x0, s1;
	[sflag:s0] =	ssyncset.done @!p0 $0x0  }
0x4b: {  	[sflag:s0] =	ssyncadd.s32 @!p0 s1  }
0x4c: {  	[bflag:$0x3] =	sbarrier.arrive $0xFFFF  }
0x4d: {  	_ =	shalt  }

</sc_bundles>
